<compile_context>
chip_gen: v7x
topology: tpu7x:2x2x1
jax: 0.10.2.dev20260603
libtpu: 0.0.44.dev20260713+nightly
codegen_flags: <defaults>
</compile_context>

<pallas_src>
import functools

import jax
import jax.numpy as jnp
from jax import lax
from jax.experimental import pallas as pl
from jax.experimental.pallas import tpu as pltpu
from jax.experimental.pallas import tpu_sc as plsc

BATCH = 32768
V = 32
NUM_BINS = 30
MIN_BIN_W = 0.001
MIN_BIN_H = 0.001
MIN_DERIV = 0.001
_EDGE_CONST = 0.5392745158594121

NC = 2
NS = 16
NW = NC * NS
ROWS_PER_TILE = BATCH // NW
ELEMS_PER_TILE = ROWS_PER_TILE * V

LUT = 1024
TBL = 1024
OFF_CB, OFF_CW, OFF_WI, OFF_CH, OFF_H, OFF_D = (k * TBL for k in range(6))

LN2 = 0.6931471805599453
_LOG2_C = (0.043928627847853945, -0.4094755857657619, 1.6101775468948172,
           -3.520218838142728, 5.069756316631331, -2.794153676535512)


def _tables_tc_kernel(uw_ref, uh_ref, ud_ref, tab_ref, lut_ref):
    uw = uw_ref[...]
    uh = uh_ref[...]
    ud = ud_ref[...]

    bi = lax.broadcasted_iota(jnp.int32, (NUM_BINS, V), 0)
    ji = lax.broadcasted_iota(jnp.int32, (NUM_BINS, V), 1)
    m = (bi < ji).astype(jnp.float32)

    def cumparams(u, min_size):
        mx = jnp.max(u, axis=-1, keepdims=True)
        e = jnp.exp(u - mx)
        p = e / jnp.sum(e, axis=-1, keepdims=True)
        p = min_size + (1.0 - min_size * NUM_BINS) * p
        cum = jnp.dot(p, m, preferred_element_type=jnp.float32,
                      precision=lax.Precision.HIGHEST)
        return cum

    cumw = cumparams(uw, MIN_BIN_W)
    cumh = cumparams(uh, MIN_BIN_H)
    w30 = cumw[:, 1:31] - cumw[:, 0:30]
    h30 = cumh[:, 1:31] - cumh[:, 0:30]
    ones2 = jnp.ones((V, 2), jnp.float32)

    col = lax.broadcasted_iota(jnp.int32, (V, V), 1)
    cb = jnp.where(col == 30, cumw + 1e-6, cumw)
    cb = jnp.where(col == 31, 1e30, cb)

    winv = jnp.concatenate([1.0 / w30, ones2], axis=1)
    hpad = jnp.concatenate([h30, ones2], axis=1)

    edge = jnp.full((V, 1), _EDGE_CONST, jnp.float32)
    dp31 = jnp.concatenate([edge, ud, edge], axis=1)
    sp = jnp.maximum(dp31, 0.0) + jnp.log(1.0 + jnp.exp(-jnp.abs(dp31)))
    dpad = jnp.concatenate([MIN_DERIV + sp, jnp.ones((V, 1), jnp.float32)],
                           axis=1)

    tab_ref[0] = cb
    tab_ref[1] = cumw
    tab_ref[2] = winv
    tab_ref[3] = cumh
    tab_ref[4] = hpad
    tab_ref[5] = dpad

    cells = (lax.broadcasted_iota(jnp.int32, (V, LUT), 1).astype(jnp.float32)
             * jnp.float32(1.0 / LUT))
    cnt = jnp.zeros((V, LUT), jnp.float32)
    for b in range(31):
        cnt = cnt + (cb[:, b:b + 1] <= cells).astype(jnp.float32)
    lut_ref[...] = jnp.clip(cnt.astype(jnp.int32) - 1, 0, NUM_BINS - 1)


def _build_tables(uw, uh, ud):
    return pl.pallas_call(
        _tables_tc_kernel,
        out_shape=(
            jax.ShapeDtypeStruct((6, V, V), jnp.float32),
            jax.ShapeDtypeStruct((V, LUT), jnp.int32),
        ),
    )(uw, uh, ud)


def _log2_poly(x):
    i = lax.bitcast_convert_type(x, jnp.int32)
    e = lax.convert_element_type(
        lax.shift_right_arithmetic(i, 23) - 127, jnp.float32)
    mb = lax.bitwise_or(lax.bitwise_and(i, 0x007FFFFF), 0x3F800000)
    mm = lax.bitcast_convert_type(mb, jnp.float32)
    p = jnp.full((16,), _LOG2_C[0], jnp.float32)
    for c in _LOG2_C[1:]:
        p = p * mm + c
    return e + p


SC_COLS = 24576
TC_COLS = BATCH - SC_COLS
TCB = 512

COLS_PER_TILE = SC_COLS // NW
NCHUNK = 3
CCOLS = COLS_PER_TILE // NCHUNK


def _tc_spline_kernel(x_ref, tab_ref, out_ref, det_ref):
    x = x_ref[...]
    tabs = tab_ref[...]
    cb = tabs[0]
    cwt = tabs[1]
    wit = tabs[2]
    cht = tabs[3]
    ht = tabs[4]
    dt = tabs[5]
    zero = jnp.zeros_like(x)
    one = jnp.ones_like(x)
    iprev = one
    cw = zero
    wi = zero
    ch = zero
    h = zero
    d = zero
    dp = zero
    for b in range(NUM_BINS):
        ib = jnp.where(x >= cb[:, b + 1:b + 2], 1.0, 0.0)
        oh = iprev - ib
        cw = cw + oh * cwt[:, b:b + 1]
        wi = wi + oh * wit[:, b:b + 1]
        ch = ch + oh * cht[:, b:b + 1]
        h = h + oh * ht[:, b:b + 1]
        d = d + oh * dt[:, b:b + 1]
        dp = dp + oh * dt[:, b + 1:b + 2]
        iprev = ib
    dl = h * wi
    th = (x - cw) * wi
    th2 = th * th
    th1 = th - th2
    num = h * (dl * th2 + d * th1)
    den = dl + (d + dp - 2.0 * dl) * th1
    rcp = 1.0 / den
    spl = ch + num * rcp
    omt = 1.0 - th
    nd = (dl * dl) * (dp * th2 + 2.0 * dl * th1 + d * (omt * omt))
    logdet = jnp.log(nd * (rcp * rcp))
    inside = jnp.logical_and(x >= 0.0, x <= 1.0)
    out_ref[...] = jnp.where(inside, spl, x)
    det_ref[...] = jnp.where(inside, logdet, zero)


def _tc_spline(xt, tab):
    return pl.pallas_call(
        _tc_spline_kernel,
        grid=(TC_COLS // TCB,),
        in_specs=[
            pl.BlockSpec((V, TCB), lambda i: (0, SC_COLS // TCB + i)),
            pl.BlockSpec((6, V, V), lambda i: (0, 0, 0)),
        ],
        out_specs=[
            pl.BlockSpec((V, TCB), lambda i: (0, i)),
            pl.BlockSpec((V, TCB), lambda i: (0, i)),
        ],
        out_shape=(
            jax.ShapeDtypeStruct((V, TC_COLS), jnp.float32),
            jax.ShapeDtypeStruct((V, TC_COLS), jnp.float32),
        ),
    )(xt, tab)


def _sc_body(x_hbm, tab_hbm, lut_hbm, out_hbm, det_hbm,
             tab_v, lut_v, xin0, xin1, o0, o1, d0, d1,
             si0, si1, so0, so1, sd0, sd1):
    wid = lax.axis_index("s") * NC + lax.axis_index("c")
    c0 = wid * COLS_PER_TILE
    xin = (xin0, xin1)
    outs = (o0, o1)
    dets = (d0, d1)
    isem = (si0, si1)
    osem = (so0, so1)
    dsem = (sd0, sd1)

    def start_in(k):
        return pltpu.async_copy(
            x_hbm.at[:, pl.ds(c0 + k * CCOLS, CCOLS)], xin[k % 2],
            isem[k % 2])

    def start_out(k):
        return (
            pltpu.async_copy(
                outs[k % 2], out_hbm.at[:, pl.ds(c0 + k * CCOLS, CCOLS)],
                osem[k % 2]),
            pltpu.async_copy(
                dets[k % 2], det_hbm.at[:, pl.ds(c0 + k * CCOLS, CCOLS)],
                dsem[k % 2]),
        )

    in_h = start_in(0)
    pltpu.sync_copy(tab_hbm, tab_v)
    pltpu.sync_copy(lut_hbm, lut_v)

    def do_vec(xv, ov, dv, r, col, tb, lb):
        x = xv[r, pl.ds(col, 16)]
        cell = jnp.clip(
            lax.convert_element_type(x * jnp.float32(LUT), jnp.int32),
            0, LUT - 1)
        l = plsc.load_gather(lut_v, [cell + lb])
        c1 = plsc.load_gather(tab_v, [l + (tb + OFF_CB + 1)])
        binr = jnp.minimum(jnp.where(c1 <= x, l + 1, l), NUM_BINS - 1)
        gi = binr + tb
        cw = plsc.load_gather(tab_v, [gi + OFF_CW])
        winv = plsc.load_gather(tab_v, [gi + OFF_WI])
        ch = plsc.load_gather(tab_v, [gi + OFF_CH])
        h = plsc.load_gather(tab_v, [gi + OFF_H])
        d = plsc.load_gather(tab_v, [gi + OFF_D])
        dp = plsc.load_gather(tab_v, [gi + (OFF_D + 1)])
        dl = h * winv

        th = (x - cw) * winv
        th2 = th * th
        th1 = th - th2
        num = h * (dl * th2 + d * th1)
        den = dl + (d + dp - 2.0 * dl) * th1
        rcp = 1.0 / den
        spl = ch + num * rcp
        omt = 1.0 - th
        nd = (dl * dl) * (dp * th2 + 2.0 * dl * th1 + d * (omt * omt))
        logdet = LN2 * _log2_poly(nd * (rcp * rcp))
        inside = jnp.logical_and(x >= 0.0, x <= 1.0)
        ov[r, pl.ds(col, 16)] = jnp.where(inside, spl, x)
        dv[r, pl.ds(col, 16)] = jnp.where(
            inside, logdet, jnp.zeros((16,), jnp.float32))

    vec_per_row = CCOLS // 16
    shift = vec_per_row.bit_length() - 1
    out_h = {}
    for k in range(NCHUNK):
        in_h.wait()
        if k + 1 < NCHUNK:
            in_h = start_in(k + 1)
        if k >= 2:
            for hh in out_h[k - 2]:
                hh.wait()
        xv, ov, dv = xin[k % 2], outs[k % 2], dets[k % 2]

        @plsc.parallel_loop(0, V * vec_per_row, unroll=4)
        def _loop(i, xv=xv, ov=ov, dv=dv):
            r = lax.shift_right_logical(i, shift)
            col = lax.bitwise_and(i, vec_per_row - 1) * 16
            do_vec(xv, ov, dv, r, col, r * V, r * LUT)

        out_h[k] = start_out(k)

    for k in (NCHUNK - 2, NCHUNK - 1):
        for hh in out_h[k]:
            hh.wait()


@functools.partial(jax.jit)
def _sc_spline(xt, tab_flat, lut_flat):
    mesh = plsc.VectorSubcoreMesh(core_axis_name="c", subcore_axis_name="s")
    f = functools.partial(
        pl.kernel,
        out_type=[
            jax.ShapeDtypeStruct((V, BATCH), jnp.float32),
            jax.ShapeDtypeStruct((V, BATCH), jnp.float32),
        ],
        mesh=mesh,
        compiler_params=pltpu.CompilerParams(needs_layout_passes=False),
        scratch_types=[
            pltpu.VMEM((6 * TBL,), jnp.float32),
            pltpu.VMEM((V * LUT,), jnp.int32),
            pltpu.VMEM((V, CCOLS), jnp.float32),
            pltpu.VMEM((V, CCOLS), jnp.float32),
            pltpu.VMEM((V, CCOLS), jnp.float32),
            pltpu.VMEM((V, CCOLS), jnp.float32),
            pltpu.VMEM((V, CCOLS), jnp.float32),
            pltpu.VMEM((V, CCOLS), jnp.float32),
            pltpu.SemaphoreType.DMA,
            pltpu.SemaphoreType.DMA,
            pltpu.SemaphoreType.DMA,
            pltpu.SemaphoreType.DMA,
            pltpu.SemaphoreType.DMA,
            pltpu.SemaphoreType.DMA,
        ],
    )(_sc_body)
    return f(xt, tab_flat, lut_flat)


def kernel(inputs, unnormalized_widths, unnormalized_heights,
           unnormalized_derivatives):
    tab, lut = _build_tables(unnormalized_widths, unnormalized_heights,
                             unnormalized_derivatives)
    xt = inputs.T
    sc_out, sc_det = _sc_spline(xt, tab.reshape(-1), lut.reshape(-1))
    tc_out, tc_det = _tc_spline(xt, tab)
    out_t = lax.dynamic_update_slice(sc_out, tc_out, (0, SC_COLS))
    det_t = lax.dynamic_update_slice(sc_det, tc_det, (0, SC_COLS))
    return (out_t.T, det_t.T)

# --- scband reference (transcript-rebuilt; emitter-appended) ---
"""Pipeline reference for scband-rational-quadratic-spline-51754355917073 (READ-ONLY COPY).

The authoritative reference and input builder live on the scoring server;
editing this copy changes nothing except your own understanding.
"""

import jax, jax.numpy as jnp
import numpy as np

VARIABLES = 32
NUM_BINS = 30
BATCH = 32768
LOWER_IN = 0.0
UPPER_IN = 1.0
LOWER_OUT = 0.0
UPPER_OUT = 1.0
MIN_BIN_W = 0.001
MIN_BIN_H = 0.001
MIN_DERIV = 0.001


def setup_inputs(seed: int = 0):
    key = jax.random.key(seed)
    k1, k2, k3, k4 = jax.random.split(key, 4)
    inputs = jax.random.uniform(k1, (BATCH, VARIABLES), dtype=jnp.float32)
    unnormalized_widths = 0.1 * jax.random.normal(k2, (VARIABLES, NUM_BINS), dtype=jnp.float32)
    unnormalized_heights = 0.1 * jax.random.normal(k3, (VARIABLES, NUM_BINS), dtype=jnp.float32)
    unnormalized_derivatives = 0.5405 + 0.1 * jax.random.normal(k4, (VARIABLES, NUM_BINS - 1), dtype=jnp.float32)
    return {"inputs": inputs, "unnormalized_widths": unnormalized_widths, "unnormalized_heights": unnormalized_heights, "unnormalized_derivatives": unnormalized_derivatives}


def _compute_cumparams(unnormalized, lower, upper, min_size):
    params = jax.nn.softmax(unnormalized, axis=-1)
    params = min_size + (1.0 - min_size * NUM_BINS) * params
    cum = jnp.cumsum(params, axis=-1)
    cum = jnp.pad(cum, ((0, 0), (1, 0)))
    cum = (upper - lower) * cum + lower
    return cum, cum[..., 1:] - cum[..., :-1]


def _pad_derivatives(d):
    const_val = float(np.log(np.exp(1.0 - MIN_DERIV) - 1.0))
    edge = jnp.full(d.shape[:-1] + (1,), const_val, dtype=d.dtype)
    return jnp.concatenate([edge, d, edge], axis=-1)


def _forward(inputs, uw, uh, ud):
    # Spline parameters are shared across the batch (torch code expands a [V, nb]
    # parameter to [bs, V, nb]); we keep them [V, nb] and gather per point, which
    # is mathematically identical.
    cum_widths, widths = _compute_cumparams(uw, LOWER_IN, UPPER_IN, MIN_BIN_W)
    cum_heights, heights = _compute_cumparams(uh, LOWER_OUT, UPPER_OUT, MIN_BIN_H)
    derivs = MIN_DERIV + jax.nn.softplus(_pad_derivatives(ud))
    delta = heights / widths
    eps = 1e-06
    cum_boundaries = cum_widths.at[..., -1].add(eps)
    # histogram-style bin search: count boundaries <= input
    bin_idx = jnp.sum(inputs[:, :, None] >= cum_boundaries[None, :, :], axis=-1) - 1
    bin_idx = jnp.clip(bin_idx, 0, NUM_BINS - 1)
    var_idx = jnp.arange(VARIABLES)[None, :]
    input_cumwidths = cum_widths[var_idx, bin_idx]
    input_bin_widths = widths[var_idx, bin_idx]
    input_cumheights = cum_heights[var_idx, bin_idx]
    input_delta = delta[var_idx, bin_idx]
    input_derivs = derivs[var_idx, bin_idx]
    input_derivs_plus = derivs[var_idx, bin_idx + 1]
    input_heights = heights[var_idx, bin_idx]
    theta = (inputs - input_cumwidths) / input_bin_widths
    theta1mt = theta * (1.0 - theta)
    num = input_heights * (input_delta * theta ** 2 + input_derivs * theta1mt)
    denom = input_delta + (input_derivs + input_derivs_plus - 2.0 * input_delta) * theta1mt
    spline_out = input_cumheights + num / denom
    num_deriv = input_delta ** 2 * (input_derivs_plus * theta ** 2 + 2.0 * input_delta * theta1mt + input_derivs * (1.0 - theta) ** 2)
    spline_logdet = jnp.log(num_deriv) - 2.0 * jnp.log(denom)
    below = inputs < LOWER_IN
    above = inputs > UPPER_IN
    inside = ~(below | above)
    default_deriv = (UPPER_OUT - LOWER_OUT) / (UPPER_IN - LOWER_IN)
    lower_vals = LOWER_OUT + (inputs - LOWER_IN) * default_deriv
    upper_vals = UPPER_OUT + (inputs - UPPER_IN) * default_deriv
    outputs = jnp.where(below, lower_vals, jnp.where(above, upper_vals, spline_out))
    logabsdet = jnp.where(inside, spline_logdet, jnp.zeros_like(spline_logdet))
    return (outputs, logabsdet)


def reference(inputs, unnormalized_widths, unnormalized_heights, unnormalized_derivatives):
    return _forward(inputs, unnormalized_widths, unnormalized_heights, unnormalized_derivatives)

if __name__ == "__main__":
    import jax
    _d = setup_inputs()
    print(jax.jit(kernel)(*tuple(_d.values())))

</pallas_src>

<mosaic_0001>
#map = affine_map<(d0, d1) -> (0, 0)>
#map1 = affine_map<(d0, d1) -> (0)>
module attributes {stable_mosaic.version = 14 : i64} {
  func.func @_sc_body(%arg0: i32, %arg1: i32, %arg2: memref<32x32768xf32, #tpu.memory_space<hbm>>, %arg3: memref<6144xf32, #tpu.memory_space<hbm>>, %arg4: memref<32768xi32, #tpu.memory_space<hbm>>, %arg5: memref<32x32768xf32, #tpu.memory_space<hbm>>, %arg6: memref<32x32768xf32, #tpu.memory_space<hbm>>, %arg7: memref<6144xf32, #tpu.memory_space<vmem>>, %arg8: memref<32768xi32, #tpu.memory_space<vmem>>, %arg9: memref<32x256xf32, #tpu.memory_space<vmem>>, %arg10: memref<32x256xf32, #tpu.memory_space<vmem>>, %arg11: memref<32x256xf32, #tpu.memory_space<vmem>>, %arg12: memref<32x256xf32, #tpu.memory_space<vmem>>, %arg13: memref<32x256xf32, #tpu.memory_space<vmem>>, %arg14: memref<32x256xf32, #tpu.memory_space<vmem>>, %arg15: memref<!tpu.dma_semaphore, #tpu.memory_space<semaphore_mem>>, %arg16: memref<!tpu.dma_semaphore, #tpu.memory_space<semaphore_mem>>, %arg17: memref<!tpu.dma_semaphore, #tpu.memory_space<semaphore_mem>>, %arg18: memref<!tpu.dma_semaphore, #tpu.memory_space<semaphore_mem>>, %arg19: memref<!tpu.dma_semaphore, #tpu.memory_space<semaphore_mem>>, %arg20: memref<!tpu.dma_semaphore, #tpu.memory_space<semaphore_mem>>) attributes {dimension_semantics = [#tpu.dimension_semantics<core_parallel>, #tpu.dimension_semantics<subcore_parallel>], iteration_bounds = array<i64: 2, 16>, scalar_prefetch = 0 : i64, scratch_operands = 14 : i64, tpu.core_type = #tpu.core_type<sc_vector_subcore>, window_params = [{transform_indices = #map}, {transform_indices = #map1}, {transform_indices = #map1}, {transform_indices = #map}, {transform_indices = #map}]} {
    %mul3A = arith.constant 2 : i32
    %mul3A_0 = arith.muli %arg1, %mul3A : i32
    %add3A = arith.addi %mul3A_0, %arg0 : i32
    %mul3A_1 = arith.constant 768 : i32
    %mul3A_2 = arith.muli %add3A, %mul3A_1 : i32
    %add3A_3 = arith.constant 0 : i32
    %add3A_4 = arith.addi %mul3A_2, %add3A_3 : i32
    %dma_start3A = arith.constant 0 : i32
    %dma_start3A_5 = tpu.memref_slice %arg2[%dma_start3A, %add3A_4] : memref<32x32768xf32, #tpu.memory_space<hbm>> -> memref<32x256xf32, #tpu.memory_space<hbm>>
    %dma_start3A_6 = arith.constant 0 : i32
    %dma_start3A_7 = tpu.memref_slice %arg2[%dma_start3A_6, %add3A_4] : memref<32x32768xf32, #tpu.memory_space<hbm>> -> memref<32x256xf32, #tpu.memory_space<hbm>>
    tpu.enqueue_dma source(%dma_start3A_7 : memref<32x256xf32, #tpu.memory_space<hbm>>) target(%arg9 : memref<32x256xf32, #tpu.memory_space<vmem>>) target_semaphore(%arg15 : memref<!tpu.dma_semaphore, #tpu.memory_space<semaphore_mem>>)
    "tpu.region"() ({
      %run_scoped3A = tpu.sem_alloc : memref<!tpu.dma_semaphore, #tpu.memory_space<semaphore_mem>>
      tpu.enqueue_dma source(%arg3 : memref<6144xf32, #tpu.memory_space<hbm>>) target(%arg7 : memref<6144xf32, #tpu.memory_space<vmem>>) target_semaphore(%run_scoped3A : memref<!tpu.dma_semaphore, #tpu.memory_space<semaphore_mem>>)
      tpu.wait_dma2 semaphore(%run_scoped3A : memref<!tpu.dma_semaphore, #tpu.memory_space<semaphore_mem>>) src(%arg3 : memref<6144xf32, #tpu.memory_space<hbm>>) dst(%arg7 : memref<6144xf32, #tpu.memory_space<vmem>>)
      tpu.yield
    }) : () -> ()
    "tpu.region"() ({
      %run_scoped3A = tpu.sem_alloc : memref<!tpu.dma_semaphore, #tpu.memory_space<semaphore_mem>>
      tpu.enqueue_dma source(%arg4 : memref<32768xi32, #tpu.memory_space<hbm>>) target(%arg8 : memref<32768xi32, #tpu.memory_space<vmem>>) target_semaphore(%run_scoped3A : memref<!tpu.dma_semaphore, #tpu.memory_space<semaphore_mem>>)
      tpu.wait_dma2 semaphore(%run_scoped3A : memref<!tpu.dma_semaphore, #tpu.memory_space<semaphore_mem>>) src(%arg4 : memref<32768xi32, #tpu.memory_space<hbm>>) dst(%arg8 : memref<32768xi32, #tpu.memory_space<vmem>>)
      tpu.yield
    }) : () -> ()
    %dma_wait3A = arith.constant 0 : i32
    %dma_wait3A_8 = tpu.memref_slice %arg2[%dma_wait3A, %add3A_4] : memref<32x32768xf32, #tpu.memory_space<hbm>> -> memref<32x256xf32, #tpu.memory_space<hbm>>
    %dma_wait3A_9 = arith.constant 0 : i32
    %dma_wait3A_10 = tpu.memref_slice %arg2[%dma_wait3A_9, %add3A_4] : memref<32x32768xf32, #tpu.memory_space<hbm>> -> memref<32x256xf32, #tpu.memory_space<hbm>>
    tpu.wait_dma2 semaphore(%arg15 : memref<!tpu.dma_semaphore, #tpu.memory_space<semaphore_mem>>) src(%dma_wait3A_10 : memref<32x256xf32, #tpu.memory_space<hbm>>) dst(%arg9 : memref<32x256xf32, #tpu.memory_space<vmem>>)
    %add3A_11 = arith.constant 256 : i32
    %add3A_12 = arith.addi %mul3A_2, %add3A_11 : i32
    %dma_start3A_13 = arith.constant 0 : i32
    %dma_start3A_14 = tpu.memref_slice %arg2[%dma_start3A_13, %add3A_12] : memref<32x32768xf32, #tpu.memory_space<hbm>> -> memref<32x256xf32, #tpu.memory_space<hbm>>
    %dma_start3A_15 = arith.constant 0 : i32
    %dma_start3A_16 = tpu.memref_slice %arg2[%dma_start3A_15, %add3A_12] : memref<32x32768xf32, #tpu.memory_space<hbm>> -> memref<32x256xf32, #tpu.memory_space<hbm>>
    tpu.enqueue_dma source(%dma_start3A_16 : memref<32x256xf32, #tpu.memory_space<hbm>>) target(%arg10 : memref<32x256xf32, #tpu.memory_space<vmem>>) target_semaphore(%arg16 : memref<!tpu.dma_semaphore, #tpu.memory_space<semaphore_mem>>)
    %parallel_loop3A = arith.constant 0 : i32
    %parallel_loop3A_17 = arith.constant 512 : i32
    %parallel_loop3A_18 = arith.constant 1 : i32
    scf.for %parallel_loop3A_99 = %parallel_loop3A to %parallel_loop3A_17 step %parallel_loop3A_18  : i32 {
      %parallel_loop3A_100 = arith.constant 4 : i32
      %parallel_loop3A_101 = arith.shrui %parallel_loop3A_99, %parallel_loop3A_100 : i32
      %parallel_loop3A_102 = arith.constant 15 : i32
      %parallel_loop3A_103 = arith.andi %parallel_loop3A_99, %parallel_loop3A_102 : i32
      %parallel_loop3A_104 = arith.constant 16 : i32
      %parallel_loop3A_105 = arith.muli %parallel_loop3A_103, %parallel_loop3A_104 : i32
      %parallel_loop3A_106 = arith.constant 32 : i32
      %parallel_loop3A_107 = arith.muli %parallel_loop3A_101, %parallel_loop3A_106 : i32
      %parallel_loop3A_108 = arith.constant 1024 : i32
      %parallel_loop3A_109 = arith.muli %parallel_loop3A_101, %parallel_loop3A_108 : i32
      %parallel_loop3A_110 = arith.index_cast %parallel_loop3A_101 : i32 to index
      %parallel_loop3A_111 = arith.index_cast %parallel_loop3A_105 : i32 to index
      %parallel_loop3A_112 = tpu.vector_load %arg9[%parallel_loop3A_110, %parallel_loop3A_111] {strides = array<i32>} : memref<32x256xf32, #tpu.memory_space<vmem>>, vector<16xf32>,
      %parallel_loop3A_113 = arith.constant 1.024000e+03 : f32
      %parallel_loop3A_114 = vector.broadcast %parallel_loop3A_113 : f32 to vector<16xf32>
      %parallel_loop3A_115 = arith.mulf %parallel_loop3A_112, %parallel_loop3A_114 : vector<16xf32>
      %parallel_loop3A_116 = arith.fptosi %parallel_loop3A_115 : vector<16xf32> to vector<16xi32>
      %parallel_loop3A_117 = arith.constant 0 : i32
      %parallel_loop3A_118 = arith.constant 1023 : i32
      %parallel_loop3A_119 = vector.broadcast %parallel_loop3A_117 : i32 to vector<16xi32>
      %parallel_loop3A_120 = arith.maxsi %parallel_loop3A_119, %parallel_loop3A_116 : vector<16xi32>
      %parallel_loop3A_121 = vector.broadcast %parallel_loop3A_118 : i32 to vector<16xi32>
      %parallel_loop3A_122 = arith.minsi %parallel_loop3A_121, %parallel_loop3A_120 : vector<16xi32>
      %parallel_loop3A_123 = vector.broadcast %parallel_loop3A_109 : i32 to vector<16xi32>
      %parallel_loop3A_124 = arith.addi %parallel_loop3A_122, %parallel_loop3A_123 : vector<16xi32>
      %parallel_loop3A_125 = tpu.vector_load_idx %arg8[%parallel_loop3A_124] : memref<32768xi32, #tpu.memory_space<vmem>>[vector<16xi32>], vector<16xi32>,
      %parallel_loop3A_126 = arith.constant 0 : i32
      %parallel_loop3A_127 = arith.addi %parallel_loop3A_107, %parallel_loop3A_126 : i32
      %parallel_loop3A_128 = arith.constant 1 : i32
      %parallel_loop3A_129 = arith.addi %parallel_loop3A_127, %parallel_loop3A_128 : i32
      %parallel_loop3A_130 = vector.broadcast %parallel_loop3A_129 : i32 to vector<16xi32>
      %parallel_loop3A_131 = arith.addi %parallel_loop3A_125, %parallel_loop3A_130 : vector<16xi32>
      %parallel_loop3A_132 = tpu.vector_load_idx %arg7[%parallel_loop3A_131] : memref<6144xf32, #tpu.memory_space<vmem>>[vector<16xi32>], vector<16xf32>,
      %parallel_loop3A_133 = arith.cmpf ole, %parallel_loop3A_132, %parallel_loop3A_112 : vector<16xf32>
      %parallel_loop3A_134 = arith.constant 1 : i32
      %parallel_loop3A_135 = vector.broadcast %parallel_loop3A_134 : i32 to vector<16xi32>
      %parallel_loop3A_136 = arith.addi %parallel_loop3A_125, %parallel_loop3A_135 : vector<16xi32>
      %parallel_loop3A_137 = arith.select %parallel_loop3A_133, %parallel_loop3A_136, %parallel_loop3A_125 : vector<16xi1>, vector<16xi32>
      %parallel_loop3A_138 = arith.constant 29 : i32
      %parallel_loop3A_139 = vector.broadcast %parallel_loop3A_138 : i32 to vector<16xi32>
      %parallel_loop3A_140 = arith.minsi %parallel_loop3A_137, %parallel_loop3A_139 : vector<16xi32>
      %parallel_loop3A_141 = vector.broadcast %parallel_loop3A_107 : i32 to vector<16xi32>
      %parallel_loop3A_142 = arith.addi %parallel_loop3A_140, %parallel_loop3A_141 : vector<16xi32>
      %parallel_loop3A_143 = arith.constant 1024 : i32
      %parallel_loop3A_144 = vector.broadcast %parallel_loop3A_143 : i32 to vector<16xi32>
      %parallel_loop3A_145 = arith.addi %parallel_loop3A_142, %parallel_loop3A_144 : vector<16xi32>
      %parallel_loop3A_146 = tpu.vector_load_idx %arg7[%parallel_loop3A_145] : memref<6144xf32, #tpu.memory_space<vmem>>[vector<16xi32>], vector<16xf32>,
      %parallel_loop3A_147 = arith.constant 2048 : i32
      %parallel_loop3A_148 = vector.broadcast %parallel_loop3A_147 : i32 to vector<16xi32>
      %parallel_loop3A_149 = arith.addi %parallel_loop3A_142, %parallel_loop3A_148 : vector<16xi32>
      %parallel_loop3A_150 = tpu.vector_load_idx %arg7[%parallel_loop3A_149] : memref<6144xf32, #tpu.memory_space<vmem>>[vector<16xi32>], vector<16xf32>,
      %parallel_loop3A_151 = arith.constant 3072 : i32
      %parallel_loop3A_152 = vector.broadcast %parallel_loop3A_151 : i32 to vector<16xi32>
      %parallel_loop3A_153 = arith.addi %parallel_loop3A_142, %parallel_loop3A_152 : vector<16xi32>
      %parallel_loop3A_154 = tpu.vector_load_idx %arg7[%parallel_loop3A_153] : memref<6144xf32, #tpu.memory_space<vmem>>[vector<16xi32>], vector<16xf32>,
      %parallel_loop3A_155 = arith.constant 4096 : i32
      %parallel_loop3A_156 = vector.broadcast %parallel_loop3A_155 : i32 to vector<16xi32>
      %parallel_loop3A_157 = arith.addi %parallel_loop3A_142, %parallel_loop3A_156 : vector<16xi32>
      %parallel_loop3A_158 = tpu.vector_load_idx %arg7[%parallel_loop3A_157] : memref<6144xf32, #tpu.memory_space<vmem>>[vector<16xi32>], vector<16xf32>,
      %parallel_loop3A_159 = arith.constant 5120 : i32
      %parallel_loop3A_160 = vector.broadcast %parallel_loop3A_159 : i32 to vector<16xi32>
      %parallel_loop3A_161 = arith.addi %parallel_loop3A_142, %parallel_loop3A_160 : vector<16xi32>
      %parallel_loop3A_162 = tpu.vector_load_idx %arg7[%parallel_loop3A_161] : memref<6144xf32, #tpu.memory_space<vmem>>[vector<16xi32>], vector<16xf32>,
      %parallel_loop3A_163 = arith.constant 5121 : i32
      %parallel_loop3A_164 = vector.broadcast %parallel_loop3A_163 : i32 to vector<16xi32>
      %parallel_loop3A_165 = arith.addi %parallel_loop3A_142, %parallel_loop3A_164 : vector<16xi32>
      %parallel_loop3A_166 = tpu.vector_load_idx %arg7[%parallel_loop3A_165] : memref<6144xf32, #tpu.memory_space<vmem>>[vector<16xi32>], vector<16xf32>,
      %parallel_loop3A_167 = arith.mulf %parallel_loop3A_158, %parallel_loop3A_150 : vector<16xf32>
      %parallel_loop3A_168 = arith.subf %parallel_loop3A_112, %parallel_loop3A_146 : vector<16xf32>
      %parallel_loop3A_169 = arith.mulf %parallel_loop3A_168, %parallel_loop3A_150 : vector<16xf32>
      %parallel_loop3A_170 = arith.mulf %parallel_loop3A_169, %parallel_loop3A_169 : vector<16xf32>
      %parallel_loop3A_171 = arith.subf %parallel_loop3A_169, %parallel_loop3A_170 : vector<16xf32>
      %parallel_loop3A_172 = arith.mulf %parallel_loop3A_167, %parallel_loop3A_170 : vector<16xf32>
      %parallel_loop3A_173 = arith.mulf %parallel_loop3A_162, %parallel_loop3A_171 : vector<16xf32>
      %parallel_loop3A_174 = arith.addf %parallel_loop3A_172, %parallel_loop3A_173 : vector<16xf32>
      %parallel_loop3A_175 = arith.mulf %parallel_loop3A_158, %parallel_loop3A_174 : vector<16xf32>
      %parallel_loop3A_176 = arith.addf %parallel_loop3A_162, %parallel_loop3A_166 : vector<16xf32>
      %parallel_loop3A_177 = arith.constant 2.000000e+00 : f32
      %parallel_loop3A_178 = vector.broadcast %parallel_loop3A_177 : f32 to vector<16xf32>
      %parallel_loop3A_179 = arith.mulf %parallel_loop3A_178, %parallel_loop3A_167 : vector<16xf32>
      %parallel_loop3A_180 = arith.subf %parallel_loop3A_176, %parallel_loop3A_179 : vector<16xf32>
      %parallel_loop3A_181 = arith.mulf %parallel_loop3A_180, %parallel_loop3A_171 : vector<16xf32>
      %parallel_loop3A_182 = arith.addf %parallel_loop3A_167, %parallel_loop3A_181 : vector<16xf32>
      %parallel_loop3A_183 = arith.constant 1.000000e+00 : f32
      %parallel_loop3A_184 = vector.broadcast %parallel_loop3A_183 : f32 to vector<16xf32>
      %parallel_loop3A_185 = arith.divf %parallel_loop3A_184, %parallel_loop3A_182 : vector<16xf32>
      %parallel_loop3A_186 = arith.mulf %parallel_loop3A_175, %parallel_loop3A_185 : vector<16xf32>
      %parallel_loop3A_187 = arith.addf %parallel_loop3A_154, %parallel_loop3A_186 : vector<16xf32>
      %parallel_loop3A_188 = arith.constant 1.000000e+00 : f32
      %parallel_loop3A_189 = vector.broadcast %parallel_loop3A_188 : f32 to vector<16xf32>
      %parallel_loop3A_190 = arith.subf %parallel_loop3A_189, %parallel_loop3A_169 : vector<16xf32>
      %parallel_loop3A_191 = arith.mulf %parallel_loop3A_167, %parallel_loop3A_167 : vector<16xf32>
      %parallel_loop3A_192 = arith.mulf %parallel_loop3A_166, %parallel_loop3A_170 : vector<16xf32>
      %parallel_loop3A_193 = arith.constant 2.000000e+00 : f32
      %parallel_loop3A_194 = vector.broadcast %parallel_loop3A_193 : f32 to vector<16xf32>
      %parallel_loop3A_195 = arith.mulf %parallel_loop3A_194, %parallel_loop3A_167 : vector<16xf32>
      %parallel_loop3A_196 = arith.mulf %parallel_loop3A_195, %parallel_loop3A_171 : vector<16xf32>
      %parallel_loop3A_197 = arith.addf %parallel_loop3A_192, %parallel_loop3A_196 : vector<16xf32>
      %parallel_loop3A_198 = arith.mulf %parallel_loop3A_190, %parallel_loop3A_190 : vector<16xf32>
      %parallel_loop3A_199 = arith.mulf %parallel_loop3A_162, %parallel_loop3A_198 : vector<16xf32>
      %parallel_loop3A_200 = arith.addf %parallel_loop3A_197, %parallel_loop3A_199 : vector<16xf32>
      %parallel_loop3A_201 = arith.mulf %parallel_loop3A_191, %parallel_loop3A_200 : vector<16xf32>
      %parallel_loop3A_202 = arith.mulf %parallel_loop3A_185, %parallel_loop3A_185 : vector<16xf32>
      %parallel_loop3A_203 = arith.mulf %parallel_loop3A_201, %parallel_loop3A_202 : vector<16xf32>
      %parallel_loop3A_204 = tpu.bitcast %parallel_loop3A_203 : vector<16xf32> -> vector<16xi32>
      %parallel_loop3A_205 = arith.constant 23 : i32
      %parallel_loop3A_206 = vector.broadcast %parallel_loop3A_205 : i32 to vector<16xi32>
      %parallel_loop3A_207 = arith.shrsi %parallel_loop3A_204, %parallel_loop3A_206 : vector<16xi32>
      %parallel_loop3A_208 = arith.constant 127 : i32
      %parallel_loop3A_209 = vector.broadcast %parallel_loop3A_208 : i32 to vector<16xi32>
      %parallel_loop3A_210 = arith.subi %parallel_loop3A_207, %parallel_loop3A_209 : vector<16xi32>
      %parallel_loop3A_211 = arith.sitofp %parallel_loop3A_210 : vector<16xi32> to vector<16xf32>
      %parallel_loop3A_212 = arith.constant 8388607 : i32
      %parallel_loop3A_213 = vector.broadcast %parallel_loop3A_212 : i32 to vector<16xi32>
      %parallel_loop3A_214 = arith.andi %parallel_loop3A_204, %parallel_loop3A_213 : vector<16xi32>
      %parallel_loop3A_215 = arith.constant 1065353216 : i32
      %parallel_loop3A_216 = vector.broadcast %parallel_loop3A_215 : i32 to vector<16xi32>
      %parallel_loop3A_217 = arith.ori %parallel_loop3A_214, %parallel_loop3A_216 : vector<16xi32>
      %parallel_loop3A_218 = tpu.bitcast %parallel_loop3A_217 : vector<16xi32> -> vector<16xf32>
      %parallel_loop3A_219 = arith.constant 0.0439286269 : f32
      %parallel_loop3A_220 = vector.broadcast %parallel_loop3A_219 : f32 to vector<16xf32>
      %parallel_loop3A_221 = arith.mulf %parallel_loop3A_220, %parallel_loop3A_218 : vector<16xf32>
      %parallel_loop3A_222 = arith.constant -0.409475595 : f32
      %parallel_loop3A_223 = vector.broadcast %parallel_loop3A_222 : f32 to vector<16xf32>
      %parallel_loop3A_224 = arith.addf %parallel_loop3A_221, %parallel_loop3A_223 : vector<16xf32>
      %parallel_loop3A_225 = arith.mulf %parallel_loop3A_224, %parallel_loop3A_218 : vector<16xf32>
      %parallel_loop3A_226 = arith.constant 1.61017752 : f32
      %parallel_loop3A_227 = vector.broadcast %parallel_loop3A_226 : f32 to vector<16xf32>
      %parallel_loop3A_228 = arith.addf %parallel_loop3A_225, %parallel_loop3A_227 : vector<16xf32>
      %parallel_loop3A_229 = arith.mulf %parallel_loop3A_228, %parallel_loop3A_218 : vector<16xf32>
      %parallel_loop3A_230 = arith.constant -3.52021885 : f32
      %parallel_loop3A_231 = vector.broadcast %parallel_loop3A_230 : f32 to vector<16xf32>
      %parallel_loop3A_232 = arith.addf %parallel_loop3A_229, %parallel_loop3A_231 : vector<16xf32>
      %parallel_loop3A_233 = arith.mulf %parallel_loop3A_232, %parallel_loop3A_218 : vector<16xf32>
      %parallel_loop3A_234 = arith.constant 5.06975651 : f32
      %parallel_loop3A_235 = vector.broadcast %parallel_loop3A_234 : f32 to vector<16xf32>
      %parallel_loop3A_236 = arith.addf %parallel_loop3A_233, %parallel_loop3A_235 : vector<16xf32>
      %parallel_loop3A_237 = arith.mulf %parallel_loop3A_236, %parallel_loop3A_218 : vector<16xf32>
      %parallel_loop3A_238 = arith.constant -2.79415369 : f32
      %parallel_loop3A_239 = vector.broadcast %parallel_loop3A_238 : f32 to vector<16xf32>
      %parallel_loop3A_240 = arith.addf %parallel_loop3A_237, %parallel_loop3A_239 : vector<16xf32>
      %parallel_loop3A_241 = arith.addf %parallel_loop3A_211, %parallel_loop3A_240 : vector<16xf32>
      %parallel_loop3A_242 = arith.constant 0.693147182 : f32
      %parallel_loop3A_243 = vector.broadcast %parallel_loop3A_242 : f32 to vector<16xf32>
      %parallel_loop3A_244 = arith.mulf %parallel_loop3A_243, %parallel_loop3A_241 : vector<16xf32>
      %parallel_loop3A_245 = arith.constant 0.000000e+00 : f32
      %parallel_loop3A_246 = vector.broadcast %parallel_loop3A_245 : f32 to vector<16xf32>
      %parallel_loop3A_247 = arith.cmpf oge, %parallel_loop3A_112, %parallel_loop3A_246 : vector<16xf32>
      %parallel_loop3A_248 = arith.constant 1.000000e+00 : f32
      %parallel_loop3A_249 = vector.broadcast %parallel_loop3A_248 : f32 to vector<16xf32>
      %parallel_loop3A_250 = arith.cmpf ole, %parallel_loop3A_112, %parallel_loop3A_249 : vector<16xf32>
      %parallel_loop3A_251 = arith.andi %parallel_loop3A_247, %parallel_loop3A_250 : vector<16xi1>
      %parallel_loop3A_252 = arith.select %parallel_loop3A_251, %parallel_loop3A_187, %parallel_loop3A_112 : vector<16xi1>, vector<16xf32>
      %parallel_loop3A_253 = arith.index_cast %parallel_loop3A_101 : i32 to index
      %parallel_loop3A_254 = arith.index_cast %parallel_loop3A_105 : i32 to index
      %parallel_loop3A_255 = tpu.vector_load %arg11[%parallel_loop3A_253, %parallel_loop3A_254] {strides = array<i32>} : memref<32x256xf32, #tpu.memory_space<vmem>>, vector<16xf32>,
      tpu.vector_store %arg11[%parallel_loop3A_253, %parallel_loop3A_254], %parallel_loop3A_252 {strides = array<i32>} : memref<32x256xf32, #tpu.memory_space<vmem>>, vector<16xf32>,
      %parallel_loop3A_256 = arith.constant 0.000000e+00 : f32
      %parallel_loop3A_257 = vector.broadcast %parallel_loop3A_256 : f32 to vector<16xf32>
      %parallel_loop3A_258 = arith.select %parallel_loop3A_251, %parallel_loop3A_244, %parallel_loop3A_257 : vector<16xi1>, vector<16xf32>
      %parallel_loop3A_259 = arith.index_cast %parallel_loop3A_101 : i32 to index
      %parallel_loop3A_260 = arith.index_cast %parallel_loop3A_105 : i32 to index
      %parallel_loop3A_261 = tpu.vector_load %arg13[%parallel_loop3A_259, %parallel_loop3A_260] {strides = array<i32>} : memref<32x256xf32, #tpu.memory_space<vmem>>, vector<16xf32>,
      tpu.vector_store %arg13[%parallel_loop3A_259, %parallel_loop3A_260], %parallel_loop3A_258 {strides = array<i32>} : memref<32x256xf32, #tpu.memory_space<vmem>>, vector<16xf32>,
    } {sc.loop_unroll_factor = 4 : i64, sc.parallel_access}
    %add3A_19 = arith.constant 0 : i32
    %add3A_20 = arith.addi %mul3A_2, %add3A_19 : i32
    %dma_start3A_21 = arith.constant 0 : i32
    %dma_start3A_22 = tpu.memref_slice %arg5[%dma_start3A_21, %add3A_20] : memref<32x32768xf32, #tpu.memory_space<hbm>> -> memref<32x256xf32, #tpu.memory_space<hbm>>
    %dma_start3A_23 = arith.constant 0 : i32
    %dma_start3A_24 = tpu.memref_slice %arg5[%dma_start3A_23, %add3A_20] : memref<32x32768xf32, #tpu.memory_space<hbm>> -> memref<32x256xf32, #tpu.memory_space<hbm>>
    tpu.enqueue_dma source(%arg11 : memref<32x256xf32, #tpu.memory_space<vmem>>) target(%dma_start3A_24 : memref<32x256xf32, #tpu.memory_space<hbm>>) target_semaphore(%arg17 : memref<!tpu.dma_semaphore, #tpu.memory_space<semaphore_mem>>)
    %add3A_25 = arith.constant 0 : i32
    %add3A_26 = arith.addi %mul3A_2, %add3A_25 : i32
    %dma_start3A_27 = arith.constant 0 : i32
    %dma_start3A_28 = tpu.memref_slice %arg6[%dma_start3A_27, %add3A_26] : memref<32x32768xf32, #tpu.memory_space<hbm>> -> memref<32x256xf32, #tpu.memory_space<hbm>>
    %dma_start3A_29 = arith.constant 0 : i32
    %dma_start3A_30 = tpu.memref_slice %arg6[%dma_start3A_29, %add3A_26] : memref<32x32768xf32, #tpu.memory_space<hbm>> -> memref<32x256xf32, #tpu.memory_space<hbm>>
    tpu.enqueue_dma source(%arg13 : memref<32x256xf32, #tpu.memory_space<vmem>>) target(%dma_start3A_30 : memref<32x256xf32, #tpu.memory_space<hbm>>) target_semaphore(%arg19 : memref<!tpu.dma_semaphore, #tpu.memory_space<semaphore_mem>>)
    %dma_wait3A_31 = arith.constant 0 : i32
    %dma_wait3A_32 = tpu.memref_slice %arg2[%dma_wait3A_31, %add3A_12] : memref<32x32768xf32, #tpu.memory_space<hbm>> -> memref<32x256xf32, #tpu.memory_space<hbm>>
    %dma_wait3A_33 = arith.constant 0 : i32
    %dma_wait3A_34 = tpu.memref_slice %arg2[%dma_wait3A_33, %add3A_12] : memref<32x32768xf32, #tpu.memory_space<hbm>> -> memref<32x256xf32, #tpu.memory_space<hbm>>
    tpu.wait_dma2 semaphore(%arg16 : memref<!tpu.dma_semaphore, #tpu.memory_space<semaphore_mem>>) src(%dma_wait3A_34 : memref<32x256xf32, #tpu.memory_space<hbm>>) dst(%arg10 : memref<32x256xf32, #tpu.memory_space<vmem>>)
    %add3A_35 = arith.constant 512 : i32
    %add3A_36 = arith.addi %mul3A_2, %add3A_35 : i32
    %dma_start3A_37 = arith.constant 0 : i32
    %dma_start3A_38 = tpu.memref_slice %arg2[%dma_start3A_37, %add3A_36] : memref<32x32768xf32, #tpu.memory_space<hbm>> -> memref<32x256xf32, #tpu.memory_space<hbm>>
    %dma_start3A_39 = arith.constant 0 : i32
    %dma_start3A_40 = tpu.memref_slice %arg2[%dma_start3A_39, %add3A_36] : memref<32x32768xf32, #tpu.memory_space<hbm>> -> memref<32x256xf32, #tpu.memory_space<hbm>>
    tpu.enqueue_dma source(%dma_start3A_40 : memref<32x256xf32, #tpu.memory_space<hbm>>) target(%arg9 : memref<32x256xf32, #tpu.memory_space<vmem>>) target_semaphore(%arg15 : memref<!tpu.dma_semaphore, #tpu.memory_space<semaphore_mem>>)
    %parallel_loop3A_41 = arith.constant 0 : i32
    %parallel_loop3A_42 = arith.constant 512 : i32
    %parallel_loop3A_43 = arith.constant 1 : i32
    scf.for %parallel_loop3A_99 = %parallel_loop3A_41 to %parallel_loop3A_42 step %parallel_loop3A_43  : i32 {
      %parallel_loop3A_100 = arith.constant 4 : i32
      %parallel_loop3A_101 = arith.shrui %parallel_loop3A_99, %parallel_loop3A_100 : i32
      %parallel_loop3A_102 = arith.constant 15 : i32
      %parallel_loop3A_103 = arith.andi %parallel_loop3A_99, %parallel_loop3A_102 : i32
      %parallel_loop3A_104 = arith.constant 16 : i32
      %parallel_loop3A_105 = arith.muli %parallel_loop3A_103, %parallel_loop3A_104 : i32
      %parallel_loop3A_106 = arith.constant 32 : i32
      %parallel_loop3A_107 = arith.muli %parallel_loop3A_101, %parallel_loop3A_106 : i32
      %parallel_loop3A_108 = arith.constant 1024 : i32
      %parallel_loop3A_109 = arith.muli %parallel_loop3A_101, %parallel_loop3A_108 : i32
      %parallel_loop3A_110 = arith.index_cast %parallel_loop3A_101 : i32 to index
      %parallel_loop3A_111 = arith.index_cast %parallel_loop3A_105 : i32 to index
      %parallel_loop3A_112 = tpu.vector_load %arg10[%parallel_loop3A_110, %parallel_loop3A_111] {strides = array<i32>} : memref<32x256xf32, #tpu.memory_space<vmem>>, vector<16xf32>,
      %parallel_loop3A_113 = arith.constant 1.024000e+03 : f32
      %parallel_loop3A_114 = vector.broadcast %parallel_loop3A_113 : f32 to vector<16xf32>
      %parallel_loop3A_115 = arith.mulf %parallel_loop3A_112, %parallel_loop3A_114 : vector<16xf32>
      %parallel_loop3A_116 = arith.fptosi %parallel_loop3A_115 : vector<16xf32> to vector<16xi32>
      %parallel_loop3A_117 = arith.constant 0 : i32
      %parallel_loop3A_118 = arith.constant 1023 : i32
      %parallel_loop3A_119 = vector.broadcast %parallel_loop3A_117 : i32 to vector<16xi32>
      %parallel_loop3A_120 = arith.maxsi %parallel_loop3A_119, %parallel_loop3A_116 : vector<16xi32>
      %parallel_loop3A_121 = vector.broadcast %parallel_loop3A_118 : i32 to vector<16xi32>
      %parallel_loop3A_122 = arith.minsi %parallel_loop3A_121, %parallel_loop3A_120 : vector<16xi32>
      %parallel_loop3A_123 = vector.broadcast %parallel_loop3A_109 : i32 to vector<16xi32>
      %parallel_loop3A_124 = arith.addi %parallel_loop3A_122, %parallel_loop3A_123 : vector<16xi32>
      %parallel_loop3A_125 = tpu.vector_load_idx %arg8[%parallel_loop3A_124] : memref<32768xi32, #tpu.memory_space<vmem>>[vector<16xi32>], vector<16xi32>,
      %parallel_loop3A_126 = arith.constant 0 : i32
      %parallel_loop3A_127 = arith.addi %parallel_loop3A_107, %parallel_loop3A_126 : i32
      %parallel_loop3A_128 = arith.constant 1 : i32
      %parallel_loop3A_129 = arith.addi %parallel_loop3A_127, %parallel_loop3A_128 : i32
      %parallel_loop3A_130 = vector.broadcast %parallel_loop3A_129 : i32 to vector<16xi32>
      %parallel_loop3A_131 = arith.addi %parallel_loop3A_125, %parallel_loop3A_130 : vector<16xi32>
      %parallel_loop3A_132 = tpu.vector_load_idx %arg7[%parallel_loop3A_131] : memref<6144xf32, #tpu.memory_space<vmem>>[vector<16xi32>], vector<16xf32>,
      %parallel_loop3A_133 = arith.cmpf ole, %parallel_loop3A_132, %parallel_loop3A_112 : vector<16xf32>
      %parallel_loop3A_134 = arith.constant 1 : i32
      %parallel_loop3A_135 = vector.broadcast %parallel_loop3A_134 : i32 to vector<16xi32>
      %parallel_loop3A_136 = arith.addi %parallel_loop3A_125, %parallel_loop3A_135 : vector<16xi32>
      %parallel_loop3A_137 = arith.select %parallel_loop3A_133, %parallel_loop3A_136, %parallel_loop3A_125 : vector<16xi1>, vector<16xi32>
      %parallel_loop3A_138 = arith.constant 29 : i32
      %parallel_loop3A_139 = vector.broadcast %parallel_loop3A_138 : i32 to vector<16xi32>
      %parallel_loop3A_140 = arith.minsi %parallel_loop3A_137, %parallel_loop3A_139 : vector<16xi32>
      %parallel_loop3A_141 = vector.broadcast %parallel_loop3A_107 : i32 to vector<16xi32>
      %parallel_loop3A_142 = arith.addi %parallel_loop3A_140, %parallel_loop3A_141 : vector<16xi32>
      %parallel_loop3A_143 = arith.constant 1024 : i32
      %parallel_loop3A_144 = vector.broadcast %parallel_loop3A_143 : i32 to vector<16xi32>
      %parallel_loop3A_145 = arith.addi %parallel_loop3A_142, %parallel_loop3A_144 : vector<16xi32>
      %parallel_loop3A_146 = tpu.vector_load_idx %arg7[%parallel_loop3A_145] : memref<6144xf32, #tpu.memory_space<vmem>>[vector<16xi32>], vector<16xf32>,
      %parallel_loop3A_147 = arith.constant 2048 : i32
      %parallel_loop3A_148 = vector.broadcast %parallel_loop3A_147 : i32 to vector<16xi32>
      %parallel_loop3A_149 = arith.addi %parallel_loop3A_142, %parallel_loop3A_148 : vector<16xi32>
      %parallel_loop3A_150 = tpu.vector_load_idx %arg7[%parallel_loop3A_149] : memref<6144xf32, #tpu.memory_space<vmem>>[vector<16xi32>], vector<16xf32>,
      %parallel_loop3A_151 = arith.constant 3072 : i32
      %parallel_loop3A_152 = vector.broadcast %parallel_loop3A_151 : i32 to vector<16xi32>
      %parallel_loop3A_153 = arith.addi %parallel_loop3A_142, %parallel_loop3A_152 : vector<16xi32>
      %parallel_loop3A_154 = tpu.vector_load_idx %arg7[%parallel_loop3A_153] : memref<6144xf32, #tpu.memory_space<vmem>>[vector<16xi32>], vector<16xf32>,
      %parallel_loop3A_155 = arith.constant 4096 : i32
      %parallel_loop3A_156 = vector.broadcast %parallel_loop3A_155 : i32 to vector<16xi32>
      %parallel_loop3A_157 = arith.addi %parallel_loop3A_142, %parallel_loop3A_156 : vector<16xi32>
      %parallel_loop3A_158 = tpu.vector_load_idx %arg7[%parallel_loop3A_157] : memref<6144xf32, #tpu.memory_space<vmem>>[vector<16xi32>], vector<16xf32>,
      %parallel_loop3A_159 = arith.constant 5120 : i32
      %parallel_loop3A_160 = vector.broadcast %parallel_loop3A_159 : i32 to vector<16xi32>
      %parallel_loop3A_161 = arith.addi %parallel_loop3A_142, %parallel_loop3A_160 : vector<16xi32>
      %parallel_loop3A_162 = tpu.vector_load_idx %arg7[%parallel_loop3A_161] : memref<6144xf32, #tpu.memory_space<vmem>>[vector<16xi32>], vector<16xf32>,
      %parallel_loop3A_163 = arith.constant 5121 : i32
      %parallel_loop3A_164 = vector.broadcast %parallel_loop3A_163 : i32 to vector<16xi32>
      %parallel_loop3A_165 = arith.addi %parallel_loop3A_142, %parallel_loop3A_164 : vector<16xi32>
      %parallel_loop3A_166 = tpu.vector_load_idx %arg7[%parallel_loop3A_165] : memref<6144xf32, #tpu.memory_space<vmem>>[vector<16xi32>], vector<16xf32>,
      %parallel_loop3A_167 = arith.mulf %parallel_loop3A_158, %parallel_loop3A_150 : vector<16xf32>
      %parallel_loop3A_168 = arith.subf %parallel_loop3A_112, %parallel_loop3A_146 : vector<16xf32>
      %parallel_loop3A_169 = arith.mulf %parallel_loop3A_168, %parallel_loop3A_150 : vector<16xf32>
      %parallel_loop3A_170 = arith.mulf %parallel_loop3A_169, %parallel_loop3A_169 : vector<16xf32>
      %parallel_loop3A_171 = arith.subf %parallel_loop3A_169, %parallel_loop3A_170 : vector<16xf32>
      %parallel_loop3A_172 = arith.mulf %parallel_loop3A_167, %parallel_loop3A_170 : vector<16xf32>
      %parallel_loop3A_173 = arith.mulf %parallel_loop3A_162, %parallel_loop3A_171 : vector<16xf32>
      %parallel_loop3A_174 = arith.addf %parallel_loop3A_172, %parallel_loop3A_173 : vector<16xf32>
      %parallel_loop3A_175 = arith.mulf %parallel_loop3A_158, %parallel_loop3A_174 : vector<16xf32>
      %parallel_loop3A_176 = arith.addf %parallel_loop3A_162, %parallel_loop3A_166 : vector<16xf32>
      %parallel_loop3A_177 = arith.constant 2.000000e+00 : f32
      %parallel_loop3A_178 = vector.broadcast %parallel_loop3A_177 : f32 to vector<16xf32>
      %parallel_loop3A_179 = arith.mulf %parallel_loop3A_178, %parallel_loop3A_167 : vector<16xf32>
      %parallel_loop3A_180 = arith.subf %parallel_loop3A_176, %parallel_loop3A_179 : vector<16xf32>
      %parallel_loop3A_181 = arith.mulf %parallel_loop3A_180, %parallel_loop3A_171 : vector<16xf32>
      %parallel_loop3A_182 = arith.addf %parallel_loop3A_167, %parallel_loop3A_181 : vector<16xf32>
      %parallel_loop3A_183 = arith.constant 1.000000e+00 : f32
      %parallel_loop3A_184 = vector.broadcast %parallel_loop3A_183 : f32 to vector<16xf32>
      %parallel_loop3A_185 = arith.divf %parallel_loop3A_184, %parallel_loop3A_182 : vector<16xf32>
      %parallel_loop3A_186 = arith.mulf %parallel_loop3A_175, %parallel_loop3A_185 : vector<16xf32>
      %parallel_loop3A_187 = arith.addf %parallel_loop3A_154, %parallel_loop3A_186 : vector<16xf32>
      %parallel_loop3A_188 = arith.constant 1.000000e+00 : f32
      %parallel_loop3A_189 = vector.broadcast %parallel_loop3A_188 : f32 to vector<16xf32>
      %parallel_loop3A_190 = arith.subf %parallel_loop3A_189, %parallel_loop3A_169 : vector<16xf32>
      %parallel_loop3A_191 = arith.mulf %parallel_loop3A_167, %parallel_loop3A_167 : vector<16xf32>
      %parallel_loop3A_192 = arith.mulf %parallel_loop3A_166, %parallel_loop3A_170 : vector<16xf32>
      %parallel_loop3A_193 = arith.constant 2.000000e+00 : f32
      %parallel_loop3A_194 = vector.broadcast %parallel_loop3A_193 : f32 to vector<16xf32>
      %parallel_loop3A_195 = arith.mulf %parallel_loop3A_194, %parallel_loop3A_167 : vector<16xf32>
      %parallel_loop3A_196 = arith.mulf %parallel_loop3A_195, %parallel_loop3A_171 : vector<16xf32>
      %parallel_loop3A_197 = arith.addf %parallel_loop3A_192, %parallel_loop3A_196 : vector<16xf32>
      %parallel_loop3A_198 = arith.mulf %parallel_loop3A_190, %parallel_loop3A_190 : vector<16xf32>
      %parallel_loop3A_199 = arith.mulf %parallel_loop3A_162, %parallel_loop3A_198 : vector<16xf32>
      %parallel_loop3A_200 = arith.addf %parallel_loop3A_197, %parallel_loop3A_199 : vector<16xf32>
      %parallel_loop3A_201 = arith.mulf %parallel_loop3A_191, %parallel_loop3A_200 : vector<16xf32>
      %parallel_loop3A_202 = arith.mulf %parallel_loop3A_185, %parallel_loop3A_185 : vector<16xf32>
      %parallel_loop3A_203 = arith.mulf %parallel_loop3A_201, %parallel_loop3A_202 : vector<16xf32>
      %parallel_loop3A_204 = tpu.bitcast %parallel_loop3A_203 : vector<16xf32> -> vector<16xi32>
      %parallel_loop3A_205 = arith.constant 23 : i32
      %parallel_loop3A_206 = vector.broadcast %parallel_loop3A_205 : i32 to vector<16xi32>
      %parallel_loop3A_207 = arith.shrsi %parallel_loop3A_204, %parallel_loop3A_206 : vector<16xi32>
      %parallel_loop3A_208 = arith.constant 127 : i32
      %parallel_loop3A_209 = vector.broadcast %parallel_loop3A_208 : i32 to vector<16xi32>
      %parallel_loop3A_210 = arith.subi %parallel_loop3A_207, %parallel_loop3A_209 : vector<16xi32>
      %parallel_loop3A_211 = arith.sitofp %parallel_loop3A_210 : vector<16xi32> to vector<16xf32>
      %parallel_loop3A_212 = arith.constant 8388607 : i32
      %parallel_loop3A_213 = vector.broadcast %parallel_loop3A_212 : i32 to vector<16xi32>
      %parallel_loop3A_214 = arith.andi %parallel_loop3A_204, %parallel_loop3A_213 : vector<16xi32>
      %parallel_loop3A_215 = arith.constant 1065353216 : i32
      %parallel_loop3A_216 = vector.broadcast %parallel_loop3A_215 : i32 to vector<16xi32>
      %parallel_loop3A_217 = arith.ori %parallel_loop3A_214, %parallel_loop3A_216 : vector<16xi32>
      %parallel_loop3A_218 = tpu.bitcast %parallel_loop3A_217 : vector<16xi32> -> vector<16xf32>
      %parallel_loop3A_219 = arith.constant 0.0439286269 : f32
      %parallel_loop3A_220 = vector.broadcast %parallel_loop3A_219 : f32 to vector<16xf32>
      %parallel_loop3A_221 = arith.mulf %parallel_loop3A_220, %parallel_loop3A_218 : vector<16xf32>
      %parallel_loop3A_222 = arith.constant -0.409475595 : f32
      %parallel_loop3A_223 = vector.broadcast %parallel_loop3A_222 : f32 to vector<16xf32>
      %parallel_loop3A_224 = arith.addf %parallel_loop3A_221, %parallel_loop3A_223 : vector<16xf32>
      %parallel_loop3A_225 = arith.mulf %parallel_loop3A_224, %parallel_loop3A_218 : vector<16xf32>
      %parallel_loop3A_226 = arith.constant 1.61017752 : f32
      %parallel_loop3A_227 = vector.broadcast %parallel_loop3A_226 : f32 to vector<16xf32>
      %parallel_loop3A_228 = arith.addf %parallel_loop3A_225, %parallel_loop3A_227 : vector<16xf32>
      %parallel_loop3A_229 = arith.mulf %parallel_loop3A_228, %parallel_loop3A_218 : vector<16xf32>
      %parallel_loop3A_230 = arith.constant -3.52021885 : f32
      %parallel_loop3A_231 = vector.broadcast %parallel_loop3A_230 : f32 to vector<16xf32>
      %parallel_loop3A_232 = arith.addf %parallel_loop3A_229, %parallel_loop3A_231 : vector<16xf32>
      %parallel_loop3A_233 = arith.mulf %parallel_loop3A_232, %parallel_loop3A_218 : vector<16xf32>
      %parallel_loop3A_234 = arith.constant 5.06975651 : f32
      %parallel_loop3A_235 = vector.broadcast %parallel_loop3A_234 : f32 to vector<16xf32>
      %parallel_loop3A_236 = arith.addf %parallel_loop3A_233, %parallel_loop3A_235 : vector<16xf32>
      %parallel_loop3A_237 = arith.mulf %parallel_loop3A_236, %parallel_loop3A_218 : vector<16xf32>
      %parallel_loop3A_238 = arith.constant -2.79415369 : f32
      %parallel_loop3A_239 = vector.broadcast %parallel_loop3A_238 : f32 to vector<16xf32>
      %parallel_loop3A_240 = arith.addf %parallel_loop3A_237, %parallel_loop3A_239 : vector<16xf32>
      %parallel_loop3A_241 = arith.addf %parallel_loop3A_211, %parallel_loop3A_240 : vector<16xf32>
      %parallel_loop3A_242 = arith.constant 0.693147182 : f32
      %parallel_loop3A_243 = vector.broadcast %parallel_loop3A_242 : f32 to vector<16xf32>
      %parallel_loop3A_244 = arith.mulf %parallel_loop3A_243, %parallel_loop3A_241 : vector<16xf32>
      %parallel_loop3A_245 = arith.constant 0.000000e+00 : f32
      %parallel_loop3A_246 = vector.broadcast %parallel_loop3A_245 : f32 to vector<16xf32>
      %parallel_loop3A_247 = arith.cmpf oge, %parallel_loop3A_112, %parallel_loop3A_246 : vector<16xf32>
      %parallel_loop3A_248 = arith.constant 1.000000e+00 : f32
      %parallel_loop3A_249 = vector.broadcast %parallel_loop3A_248 : f32 to vector<16xf32>
      %parallel_loop3A_250 = arith.cmpf ole, %parallel_loop3A_112, %parallel_loop3A_249 : vector<16xf32>
      %parallel_loop3A_251 = arith.andi %parallel_loop3A_247, %parallel_loop3A_250 : vector<16xi1>
      %parallel_loop3A_252 = arith.select %parallel_loop3A_251, %parallel_loop3A_187, %parallel_loop3A_112 : vector<16xi1>, vector<16xf32>
      %parallel_loop3A_253 = arith.index_cast %parallel_loop3A_101 : i32 to index
      %parallel_loop3A_254 = arith.index_cast %parallel_loop3A_105 : i32 to index
      %parallel_loop3A_255 = tpu.vector_load %arg12[%parallel_loop3A_253, %parallel_loop3A_254] {strides = array<i32>} : memref<32x256xf32, #tpu.memory_space<vmem>>, vector<16xf32>,
      tpu.vector_store %arg12[%parallel_loop3A_253, %parallel_loop3A_254], %parallel_loop3A_252 {strides = array<i32>} : memref<32x256xf32, #tpu.memory_space<vmem>>, vector<16xf32>,
      %parallel_loop3A_256 = arith.constant 0.000000e+00 : f32
      %parallel_loop3A_257 = vector.broadcast %parallel_loop3A_256 : f32 to vector<16xf32>
      %parallel_loop3A_258 = arith.select %parallel_loop3A_251, %parallel_loop3A_244, %parallel_loop3A_257 : vector<16xi1>, vector<16xf32>
      %parallel_loop3A_259 = arith.index_cast %parallel_loop3A_101 : i32 to index
      %parallel_loop3A_260 = arith.index_cast %parallel_loop3A_105 : i32 to index
      %parallel_loop3A_261 = tpu.vector_load %arg14[%parallel_loop3A_259, %parallel_loop3A_260] {strides = array<i32>} : memref<32x256xf32, #tpu.memory_space<vmem>>, vector<16xf32>,
      tpu.vector_store %arg14[%parallel_loop3A_259, %parallel_loop3A_260], %parallel_loop3A_258 {strides = array<i32>} : memref<32x256xf32, #tpu.memory_space<vmem>>, vector<16xf32>,
    } {sc.loop_unroll_factor = 4 : i64, sc.parallel_access}
    %add3A_44 = arith.constant 256 : i32
    %add3A_45 = arith.addi %mul3A_2, %add3A_44 : i32
    %dma_start3A_46 = arith.constant 0 : i32
    %dma_start3A_47 = tpu.memref_slice %arg5[%dma_start3A_46, %add3A_45] : memref<32x32768xf32, #tpu.memory_space<hbm>> -> memref<32x256xf32, #tpu.memory_space<hbm>>
    %dma_start3A_48 = arith.constant 0 : i32
    %dma_start3A_49 = tpu.memref_slice %arg5[%dma_start3A_48, %add3A_45] : memref<32x32768xf32, #tpu.memory_space<hbm>> -> memref<32x256xf32, #tpu.memory_space<hbm>>
    tpu.enqueue_dma source(%arg12 : memref<32x256xf32, #tpu.memory_space<vmem>>) target(%dma_start3A_49 : memref<32x256xf32, #tpu.memory_space<hbm>>) target_semaphore(%arg18 : memref<!tpu.dma_semaphore, #tpu.memory_space<semaphore_mem>>)
    %add3A_50 = arith.constant 256 : i32
    %add3A_51 = arith.addi %mul3A_2, %add3A_50 : i32
    %dma_start3A_52 = arith.constant 0 : i32
    %dma_start3A_53 = tpu.memref_slice %arg6[%dma_start3A_52, %add3A_51] : memref<32x32768xf32, #tpu.memory_space<hbm>> -> memref<32x256xf32, #tpu.memory_space<hbm>>
    %dma_start3A_54 = arith.constant 0 : i32
    %dma_start3A_55 = tpu.memref_slice %arg6[%dma_start3A_54, %add3A_51] : memref<32x32768xf32, #tpu.memory_space<hbm>> -> memref<32x256xf32, #tpu.memory_space<hbm>>
    tpu.enqueue_dma source(%arg14 : memref<32x256xf32, #tpu.memory_space<vmem>>) target(%dma_start3A_55 : memref<32x256xf32, #tpu.memory_space<hbm>>) target_semaphore(%arg20 : memref<!tpu.dma_semaphore, #tpu.memory_space<semaphore_mem>>)
    %dma_wait3A_56 = arith.constant 0 : i32
    %dma_wait3A_57 = tpu.memref_slice %arg2[%dma_wait3A_56, %add3A_36] : memref<32x32768xf32, #tpu.memory_space<hbm>> -> memref<32x256xf32, #tpu.memory_space<hbm>>
    %dma_wait3A_58 = arith.constant 0 : i32
    %dma_wait3A_59 = tpu.memref_slice %arg2[%dma_wait3A_58, %add3A_36] : memref<32x32768xf32, #tpu.memory_space<hbm>> -> memref<32x256xf32, #tpu.memory_space<hbm>>
    tpu.wait_dma2 semaphore(%arg15 : memref<!tpu.dma_semaphore, #tpu.memory_space<semaphore_mem>>) src(%dma_wait3A_59 : memref<32x256xf32, #tpu.memory_space<hbm>>) dst(%arg9 : memref<32x256xf32, #tpu.memory_space<vmem>>)
    %dma_wait3A_60 = arith.constant 0 : i32
    %dma_wait3A_61 = tpu.memref_slice %arg5[%dma_wait3A_60, %add3A_20] : memref<32x32768xf32, #tpu.memory_space<hbm>> -> memref<32x256xf32, #tpu.memory_space<hbm>>
    %dma_wait3A_62 = arith.constant 0 : i32
    %dma_wait3A_63 = tpu.memref_slice %arg5[%dma_wait3A_62, %add3A_20] : memref<32x32768xf32, #tpu.memory_space<hbm>> -> memref<32x256xf32, #tpu.memory_space<hbm>>
    tpu.wait_dma2 semaphore(%arg17 : memref<!tpu.dma_semaphore, #tpu.memory_space<semaphore_mem>>) src(%arg11 : memref<32x256xf32, #tpu.memory_space<vmem>>) dst(%dma_wait3A_63 : memref<32x256xf32, #tpu.memory_space<hbm>>)
    %dma_wait3A_64 = arith.constant 0 : i32
    %dma_wait3A_65 = tpu.memref_slice %arg6[%dma_wait3A_64, %add3A_26] : memref<32x32768xf32, #tpu.memory_space<hbm>> -> memref<32x256xf32, #tpu.memory_space<hbm>>
    %dma_wait3A_66 = arith.constant 0 : i32
    %dma_wait3A_67 = tpu.memref_slice %arg6[%dma_wait3A_66, %add3A_26] : memref<32x32768xf32, #tpu.memory_space<hbm>> -> memref<32x256xf32, #tpu.memory_space<hbm>>
    tpu.wait_dma2 semaphore(%arg19 : memref<!tpu.dma_semaphore, #tpu.memory_space<semaphore_mem>>) src(%arg13 : memref<32x256xf32, #tpu.memory_space<vmem>>) dst(%dma_wait3A_67 : memref<32x256xf32, #tpu.memory_space<hbm>>)
    %parallel_loop3A_68 = arith.constant 0 : i32
    %parallel_loop3A_69 = arith.constant 512 : i32
    %parallel_loop3A_70 = arith.constant 1 : i32
    scf.for %parallel_loop3A_99 = %parallel_loop3A_68 to %parallel_loop3A_69 step %parallel_loop3A_70  : i32 {
      %parallel_loop3A_100 = arith.constant 4 : i32
      %parallel_loop3A_101 = arith.shrui %parallel_loop3A_99, %parallel_loop3A_100 : i32
      %parallel_loop3A_102 = arith.constant 15 : i32
      %parallel_loop3A_103 = arith.andi %parallel_loop3A_99, %parallel_loop3A_102 : i32
      %parallel_loop3A_104 = arith.constant 16 : i32
      %parallel_loop3A_105 = arith.muli %parallel_loop3A_103, %parallel_loop3A_104 : i32
      %parallel_loop3A_106 = arith.constant 32 : i32
      %parallel_loop3A_107 = arith.muli %parallel_loop3A_101, %parallel_loop3A_106 : i32
      %parallel_loop3A_108 = arith.constant 1024 : i32
      %parallel_loop3A_109 = arith.muli %parallel_loop3A_101, %parallel_loop3A_108 : i32
      %parallel_loop3A_110 = arith.index_cast %parallel_loop3A_101 : i32 to index
      %parallel_loop3A_111 = arith.index_cast %parallel_loop3A_105 : i32 to index
      %parallel_loop3A_112 = tpu.vector_load %arg9[%parallel_loop3A_110, %parallel_loop3A_111] {strides = array<i32>} : memref<32x256xf32, #tpu.memory_space<vmem>>, vector<16xf32>,
      %parallel_loop3A_113 = arith.constant 1.024000e+03 : f32
      %parallel_loop3A_114 = vector.broadcast %parallel_loop3A_113 : f32 to vector<16xf32>
      %parallel_loop3A_115 = arith.mulf %parallel_loop3A_112, %parallel_loop3A_114 : vector<16xf32>
      %parallel_loop3A_116 = arith.fptosi %parallel_loop3A_115 : vector<16xf32> to vector<16xi32>
      %parallel_loop3A_117 = arith.constant 0 : i32
      %parallel_loop3A_118 = arith.constant 1023 : i32
      %parallel_loop3A_119 = vector.broadcast %parallel_loop3A_117 : i32 to vector<16xi32>
      %parallel_loop3A_120 = arith.maxsi %parallel_loop3A_119, %parallel_loop3A_116 : vector<16xi32>
      %parallel_loop3A_121 = vector.broadcast %parallel_loop3A_118 : i32 to vector<16xi32>
      %parallel_loop3A_122 = arith.minsi %parallel_loop3A_121, %parallel_loop3A_120 : vector<16xi32>
      %parallel_loop3A_123 = vector.broadcast %parallel_loop3A_109 : i32 to vector<16xi32>
      %parallel_loop3A_124 = arith.addi %parallel_loop3A_122, %parallel_loop3A_123 : vector<16xi32>
      %parallel_loop3A_125 = tpu.vector_load_idx %arg8[%parallel_loop3A_124] : memref<32768xi32, #tpu.memory_space<vmem>>[vector<16xi32>], vector<16xi32>,
      %parallel_loop3A_126 = arith.constant 0 : i32
      %parallel_loop3A_127 = arith.addi %parallel_loop3A_107, %parallel_loop3A_126 : i32
      %parallel_loop3A_128 = arith.constant 1 : i32
      %parallel_loop3A_129 = arith.addi %parallel_loop3A_127, %parallel_loop3A_128 : i32
      %parallel_loop3A_130 = vector.broadcast %parallel_loop3A_129 : i32 to vector<16xi32>
      %parallel_loop3A_131 = arith.addi %parallel_loop3A_125, %parallel_loop3A_130 : vector<16xi32>
      %parallel_loop3A_132 = tpu.vector_load_idx %arg7[%parallel_loop3A_131] : memref<6144xf32, #tpu.memory_space<vmem>>[vector<16xi32>], vector<16xf32>,
      %parallel_loop3A_133 = arith.cmpf ole, %parallel_loop3A_132, %parallel_loop3A_112 : vector<16xf32>
      %parallel_loop3A_134 = arith.constant 1 : i32
      %parallel_loop3A_135 = vector.broadcast %parallel_loop3A_134 : i32 to vector<16xi32>
      %parallel_loop3A_136 = arith.addi %parallel_loop3A_125, %parallel_loop3A_135 : vector<16xi32>
      %parallel_loop3A_137 = arith.select %parallel_loop3A_133, %parallel_loop3A_136, %parallel_loop3A_125 : vector<16xi1>, vector<16xi32>
      %parallel_loop3A_138 = arith.constant 29 : i32
      %parallel_loop3A_139 = vector.broadcast %parallel_loop3A_138 : i32 to vector<16xi32>
      %parallel_loop3A_140 = arith.minsi %parallel_loop3A_137, %parallel_loop3A_139 : vector<16xi32>
      %parallel_loop3A_141 = vector.broadcast %parallel_loop3A_107 : i32 to vector<16xi32>
      %parallel_loop3A_142 = arith.addi %parallel_loop3A_140, %parallel_loop3A_141 : vector<16xi32>
      %parallel_loop3A_143 = arith.constant 1024 : i32
      %parallel_loop3A_144 = vector.broadcast %parallel_loop3A_143 : i32 to vector<16xi32>
      %parallel_loop3A_145 = arith.addi %parallel_loop3A_142, %parallel_loop3A_144 : vector<16xi32>
      %parallel_loop3A_146 = tpu.vector_load_idx %arg7[%parallel_loop3A_145] : memref<6144xf32, #tpu.memory_space<vmem>>[vector<16xi32>], vector<16xf32>,
      %parallel_loop3A_147 = arith.constant 2048 : i32
      %parallel_loop3A_148 = vector.broadcast %parallel_loop3A_147 : i32 to vector<16xi32>
      %parallel_loop3A_149 = arith.addi %parallel_loop3A_142, %parallel_loop3A_148 : vector<16xi32>
      %parallel_loop3A_150 = tpu.vector_load_idx %arg7[%parallel_loop3A_149] : memref<6144xf32, #tpu.memory_space<vmem>>[vector<16xi32>], vector<16xf32>,
      %parallel_loop3A_151 = arith.constant 3072 : i32
      %parallel_loop3A_152 = vector.broadcast %parallel_loop3A_151 : i32 to vector<16xi32>
      %parallel_loop3A_153 = arith.addi %parallel_loop3A_142, %parallel_loop3A_152 : vector<16xi32>
      %parallel_loop3A_154 = tpu.vector_load_idx %arg7[%parallel_loop3A_153] : memref<6144xf32, #tpu.memory_space<vmem>>[vector<16xi32>], vector<16xf32>,
      %parallel_loop3A_155 = arith.constant 4096 : i32
      %parallel_loop3A_156 = vector.broadcast %parallel_loop3A_155 : i32 to vector<16xi32>
      %parallel_loop3A_157 = arith.addi %parallel_loop3A_142, %parallel_loop3A_156 : vector<16xi32>
      %parallel_loop3A_158 = tpu.vector_load_idx %arg7[%parallel_loop3A_157] : memref<6144xf32, #tpu.memory_space<vmem>>[vector<16xi32>], vector<16xf32>,
      %parallel_loop3A_159 = arith.constant 5120 : i32
      %parallel_loop3A_160 = vector.broadcast %parallel_loop3A_159 : i32 to vector<16xi32>
      %parallel_loop3A_161 = arith.addi %parallel_loop3A_142, %parallel_loop3A_160 : vector<16xi32>
      %parallel_loop3A_162 = tpu.vector_load_idx %arg7[%parallel_loop3A_161] : memref<6144xf32, #tpu.memory_space<vmem>>[vector<16xi32>], vector<16xf32>,
      %parallel_loop3A_163 = arith.constant 5121 : i32
      %parallel_loop3A_164 = vector.broadcast %parallel_loop3A_163 : i32 to vector<16xi32>
      %parallel_loop3A_165 = arith.addi %parallel_loop3A_142, %parallel_loop3A_164 : vector<16xi32>
      %parallel_loop3A_166 = tpu.vector_load_idx %arg7[%parallel_loop3A_165] : memref<6144xf32, #tpu.memory_space<vmem>>[vector<16xi32>], vector<16xf32>,
      %parallel_loop3A_167 = arith.mulf %parallel_loop3A_158, %parallel_loop3A_150 : vector<16xf32>
      %parallel_loop3A_168 = arith.subf %parallel_loop3A_112, %parallel_loop3A_146 : vector<16xf32>
      %parallel_loop3A_169 = arith.mulf %parallel_loop3A_168, %parallel_loop3A_150 : vector<16xf32>
      %parallel_loop3A_170 = arith.mulf %parallel_loop3A_169, %parallel_loop3A_169 : vector<16xf32>
      %parallel_loop3A_171 = arith.subf %parallel_loop3A_169, %parallel_loop3A_170 : vector<16xf32>
      %parallel_loop3A_172 = arith.mulf %parallel_loop3A_167, %parallel_loop3A_170 : vector<16xf32>
      %parallel_loop3A_173 = arith.mulf %parallel_loop3A_162, %parallel_loop3A_171 : vector<16xf32>
      %parallel_loop3A_174 = arith.addf %parallel_loop3A_172, %parallel_loop3A_173 : vector<16xf32>
      %parallel_loop3A_175 = arith.mulf %parallel_loop3A_158, %parallel_loop3A_174 : vector<16xf32>
      %parallel_loop3A_176 = arith.addf %parallel_loop3A_162, %parallel_loop3A_166 : vector<16xf32>
      %parallel_loop3A_177 = arith.constant 2.000000e+00 : f32
      %parallel_loop3A_178 = vector.broadcast %parallel_loop3A_177 : f32 to vector<16xf32>
      %parallel_loop3A_179 = arith.mulf %parallel_loop3A_178, %parallel_loop3A_167 : vector<16xf32>
      %parallel_loop3A_180 = arith.subf %parallel_loop3A_176, %parallel_loop3A_179 : vector<16xf32>
      %parallel_loop3A_181 = arith.mulf %parallel_loop3A_180, %parallel_loop3A_171 : vector<16xf32>
      %parallel_loop3A_182 = arith.addf %parallel_loop3A_167, %parallel_loop3A_181 : vector<16xf32>
      %parallel_loop3A_183 = arith.constant 1.000000e+00 : f32
      %parallel_loop3A_184 = vector.broadcast %parallel_loop3A_183 : f32 to vector<16xf32>
      %parallel_loop3A_185 = arith.divf %parallel_loop3A_184, %parallel_loop3A_182 : vector<16xf32>
      %parallel_loop3A_186 = arith.mulf %parallel_loop3A_175, %parallel_loop3A_185 : vector<16xf32>
      %parallel_loop3A_187 = arith.addf %parallel_loop3A_154, %parallel_loop3A_186 : vector<16xf32>
      %parallel_loop3A_188 = arith.constant 1.000000e+00 : f32
      %parallel_loop3A_189 = vector.broadcast %parallel_loop3A_188 : f32 to vector<16xf32>
      %parallel_loop3A_190 = arith.subf %parallel_loop3A_189, %parallel_loop3A_169 : vector<16xf32>
      %parallel_loop3A_191 = arith.mulf %parallel_loop3A_167, %parallel_loop3A_167 : vector<16xf32>
      %parallel_loop3A_192 = arith.mulf %parallel_loop3A_166, %parallel_loop3A_170 : vector<16xf32>
      %parallel_loop3A_193 = arith.constant 2.000000e+00 : f32
      %parallel_loop3A_194 = vector.broadcast %parallel_loop3A_193 : f32 to vector<16xf32>
      %parallel_loop3A_195 = arith.mulf %parallel_loop3A_194, %parallel_loop3A_167 : vector<16xf32>
      %parallel_loop3A_196 = arith.mulf %parallel_loop3A_195, %parallel_loop3A_171 : vector<16xf32>
      %parallel_loop3A_197 = arith.addf %parallel_loop3A_192, %parallel_loop3A_196 : vector<16xf32>
      %parallel_loop3A_198 = arith.mulf %parallel_loop3A_190, %parallel_loop3A_190 : vector<16xf32>
      %parallel_loop3A_199 = arith.mulf %parallel_loop3A_162, %parallel_loop3A_198 : vector<16xf32>
      %parallel_loop3A_200 = arith.addf %parallel_loop3A_197, %parallel_loop3A_199 : vector<16xf32>
      %parallel_loop3A_201 = arith.mulf %parallel_loop3A_191, %parallel_loop3A_200 : vector<16xf32>
      %parallel_loop3A_202 = arith.mulf %parallel_loop3A_185, %parallel_loop3A_185 : vector<16xf32>
      %parallel_loop3A_203 = arith.mulf %parallel_loop3A_201, %parallel_loop3A_202 : vector<16xf32>
      %parallel_loop3A_204 = tpu.bitcast %parallel_loop3A_203 : vector<16xf32> -> vector<16xi32>
      %parallel_loop3A_205 = arith.constant 23 : i32
      %parallel_loop3A_206 = vector.broadcast %parallel_loop3A_205 : i32 to vector<16xi32>
      %parallel_loop3A_207 = arith.shrsi %parallel_loop3A_204, %parallel_loop3A_206 : vector<16xi32>
      %parallel_loop3A_208 = arith.constant 127 : i32
      %parallel_loop3A_209 = vector.broadcast %parallel_loop3A_208 : i32 to vector<16xi32>
      %parallel_loop3A_210 = arith.subi %parallel_loop3A_207, %parallel_loop3A_209 : vector<16xi32>
      %parallel_loop3A_211 = arith.sitofp %parallel_loop3A_210 : vector<16xi32> to vector<16xf32>
      %parallel_loop3A_212 = arith.constant 8388607 : i32
      %parallel_loop3A_213 = vector.broadcast %parallel_loop3A_212 : i32 to vector<16xi32>
      %parallel_loop3A_214 = arith.andi %parallel_loop3A_204, %parallel_loop3A_213 : vector<16xi32>
      %parallel_loop3A_215 = arith.constant 1065353216 : i32
      %parallel_loop3A_216 = vector.broadcast %parallel_loop3A_215 : i32 to vector<16xi32>
      %parallel_loop3A_217 = arith.ori %parallel_loop3A_214, %parallel_loop3A_216 : vector<16xi32>
      %parallel_loop3A_218 = tpu.bitcast %parallel_loop3A_217 : vector<16xi32> -> vector<16xf32>
      %parallel_loop3A_219 = arith.constant 0.0439286269 : f32
      %parallel_loop3A_220 = vector.broadcast %parallel_loop3A_219 : f32 to vector<16xf32>
      %parallel_loop3A_221 = arith.mulf %parallel_loop3A_220, %parallel_loop3A_218 : vector<16xf32>
      %parallel_loop3A_222 = arith.constant -0.409475595 : f32
      %parallel_loop3A_223 = vector.broadcast %parallel_loop3A_222 : f32 to vector<16xf32>
      %parallel_loop3A_224 = arith.addf %parallel_loop3A_221, %parallel_loop3A_223 : vector<16xf32>
      %parallel_loop3A_225 = arith.mulf %parallel_loop3A_224, %parallel_loop3A_218 : vector<16xf32>
      %parallel_loop3A_226 = arith.constant 1.61017752 : f32
      %parallel_loop3A_227 = vector.broadcast %parallel_loop3A_226 : f32 to vector<16xf32>
      %parallel_loop3A_228 = arith.addf %parallel_loop3A_225, %parallel_loop3A_227 : vector<16xf32>
      %parallel_loop3A_229 = arith.mulf %parallel_loop3A_228, %parallel_loop3A_218 : vector<16xf32>
      %parallel_loop3A_230 = arith.constant -3.52021885 : f32
      %parallel_loop3A_231 = vector.broadcast %parallel_loop3A_230 : f32 to vector<16xf32>
      %parallel_loop3A_232 = arith.addf %parallel_loop3A_229, %parallel_loop3A_231 : vector<16xf32>
      %parallel_loop3A_233 = arith.mulf %parallel_loop3A_232, %parallel_loop3A_218 : vector<16xf32>
      %parallel_loop3A_234 = arith.constant 5.06975651 : f32
      %parallel_loop3A_235 = vector.broadcast %parallel_loop3A_234 : f32 to vector<16xf32>
      %parallel_loop3A_236 = arith.addf %parallel_loop3A_233, %parallel_loop3A_235 : vector<16xf32>
      %parallel_loop3A_237 = arith.mulf %parallel_loop3A_236, %parallel_loop3A_218 : vector<16xf32>
      %parallel_loop3A_238 = arith.constant -2.79415369 : f32
      %parallel_loop3A_239 = vector.broadcast %parallel_loop3A_238 : f32 to vector<16xf32>
      %parallel_loop3A_240 = arith.addf %parallel_loop3A_237, %parallel_loop3A_239 : vector<16xf32>
      %parallel_loop3A_241 = arith.addf %parallel_loop3A_211, %parallel_loop3A_240 : vector<16xf32>
      %parallel_loop3A_242 = arith.constant 0.693147182 : f32
      %parallel_loop3A_243 = vector.broadcast %parallel_loop3A_242 : f32 to vector<16xf32>
      %parallel_loop3A_244 = arith.mulf %parallel_loop3A_243, %parallel_loop3A_241 : vector<16xf32>
      %parallel_loop3A_245 = arith.constant 0.000000e+00 : f32
      %parallel_loop3A_246 = vector.broadcast %parallel_loop3A_245 : f32 to vector<16xf32>
      %parallel_loop3A_247 = arith.cmpf oge, %parallel_loop3A_112, %parallel_loop3A_246 : vector<16xf32>
      %parallel_loop3A_248 = arith.constant 1.000000e+00 : f32
      %parallel_loop3A_249 = vector.broadcast %parallel_loop3A_248 : f32 to vector<16xf32>
      %parallel_loop3A_250 = arith.cmpf ole, %parallel_loop3A_112, %parallel_loop3A_249 : vector<16xf32>
      %parallel_loop3A_251 = arith.andi %parallel_loop3A_247, %parallel_loop3A_250 : vector<16xi1>
      %parallel_loop3A_252 = arith.select %parallel_loop3A_251, %parallel_loop3A_187, %parallel_loop3A_112 : vector<16xi1>, vector<16xf32>
      %parallel_loop3A_253 = arith.index_cast %parallel_loop3A_101 : i32 to index
      %parallel_loop3A_254 = arith.index_cast %parallel_loop3A_105 : i32 to index
      %parallel_loop3A_255 = tpu.vector_load %arg11[%parallel_loop3A_253, %parallel_loop3A_254] {strides = array<i32>} : memref<32x256xf32, #tpu.memory_space<vmem>>, vector<16xf32>,
      tpu.vector_store %arg11[%parallel_loop3A_253, %parallel_loop3A_254], %parallel_loop3A_252 {strides = array<i32>} : memref<32x256xf32, #tpu.memory_space<vmem>>, vector<16xf32>,
      %parallel_loop3A_256 = arith.constant 0.000000e+00 : f32
      %parallel_loop3A_257 = vector.broadcast %parallel_loop3A_256 : f32 to vector<16xf32>
      %parallel_loop3A_258 = arith.select %parallel_loop3A_251, %parallel_loop3A_244, %parallel_loop3A_257 : vector<16xi1>, vector<16xf32>
      %parallel_loop3A_259 = arith.index_cast %parallel_loop3A_101 : i32 to index
      %parallel_loop3A_260 = arith.index_cast %parallel_loop3A_105 : i32 to index
      %parallel_loop3A_261 = tpu.vector_load %arg13[%parallel_loop3A_259, %parallel_loop3A_260] {strides = array<i32>} : memref<32x256xf32, #tpu.memory_space<vmem>>, vector<16xf32>,
      tpu.vector_store %arg13[%parallel_loop3A_259, %parallel_loop3A_260], %parallel_loop3A_258 {strides = array<i32>} : memref<32x256xf32, #tpu.memory_space<vmem>>, vector<16xf32>,
    } {sc.loop_unroll_factor = 4 : i64, sc.parallel_access}
    %add3A_71 = arith.constant 512 : i32
    %add3A_72 = arith.addi %mul3A_2, %add3A_71 : i32
    %dma_start3A_73 = arith.constant 0 : i32
    %dma_start3A_74 = tpu.memref_slice %arg5[%dma_start3A_73, %add3A_72] : memref<32x32768xf32, #tpu.memory_space<hbm>> -> memref<32x256xf32, #tpu.memory_space<hbm>>
    %dma_start3A_75 = arith.constant 0 : i32
    %dma_start3A_76 = tpu.memref_slice %arg5[%dma_start3A_75, %add3A_72] : memref<32x32768xf32, #tpu.memory_space<hbm>> -> memref<32x256xf32, #tpu.memory_space<hbm>>
    tpu.enqueue_dma source(%arg11 : memref<32x256xf32, #tpu.memory_space<vmem>>) target(%dma_start3A_76 : memref<32x256xf32, #tpu.memory_space<hbm>>) target_semaphore(%arg17 : memref<!tpu.dma_semaphore, #tpu.memory_space<semaphore_mem>>)
    %add3A_77 = arith.constant 512 : i32
    %add3A_78 = arith.addi %mul3A_2, %add3A_77 : i32
    %dma_start3A_79 = arith.constant 0 : i32
    %dma_start3A_80 = tpu.memref_slice %arg6[%dma_start3A_79, %add3A_78] : memref<32x32768xf32, #tpu.memory_space<hbm>> -> memref<32x256xf32, #tpu.memory_space<hbm>>
    %dma_start3A_81 = arith.constant 0 : i32
    %dma_start3A_82 = tpu.memref_slice %arg6[%dma_start3A_81, %add3A_78] : memref<32x32768xf32, #tpu.memory_space<hbm>> -> memref<32x256xf32, #tpu.memory_space<hbm>>
    tpu.enqueue_dma source(%arg13 : memref<32x256xf32, #tpu.memory_space<vmem>>) target(%dma_start3A_82 : memref<32x256xf32, #tpu.memory_space<hbm>>) target_semaphore(%arg19 : memref<!tpu.dma_semaphore, #tpu.memory_space<semaphore_mem>>)
    %dma_wait3A_83 = arith.constant 0 : i32
    %dma_wait3A_84 = tpu.memref_slice %arg5[%dma_wait3A_83, %add3A_45] : memref<32x32768xf32, #tpu.memory_space<hbm>> -> memref<32x256xf32, #tpu.memory_space<hbm>>
    %dma_wait3A_85 = arith.constant 0 : i32
    %dma_wait3A_86 = tpu.memref_slice %arg5[%dma_wait3A_85, %add3A_45] : memref<32x32768xf32, #tpu.memory_space<hbm>> -> memref<32x256xf32, #tpu.memory_space<hbm>>
    tpu.wait_dma2 semaphore(%arg18 : memref<!tpu.dma_semaphore, #tpu.memory_space<semaphore_mem>>) src(%arg12 : memref<32x256xf32, #tpu.memory_space<vmem>>) dst(%dma_wait3A_86 : memref<32x256xf32, #tpu.memory_space<hbm>>)
    %dma_wait3A_87 = arith.constant 0 : i32
    %dma_wait3A_88 = tpu.memref_slice %arg6[%dma_wait3A_87, %add3A_51] : memref<32x32768xf32, #tpu.memory_space<hbm>> -> memref<32x256xf32, #tpu.memory_space<hbm>>
    %dma_wait3A_89 = arith.constant 0 : i32
    %dma_wait3A_90 = tpu.memref_slice %arg6[%dma_wait3A_89, %add3A_51] : memref<32x32768xf32, #tpu.memory_space<hbm>> -> memref<32x256xf32, #tpu.memory_space<hbm>>
    tpu.wait_dma2 semaphore(%arg20 : memref<!tpu.dma_semaphore, #tpu.memory_space<semaphore_mem>>) src(%arg14 : memref<32x256xf32, #tpu.memory_space<vmem>>) dst(%dma_wait3A_90 : memref<32x256xf32, #tpu.memory_space<hbm>>)
    %dma_wait3A_91 = arith.constant 0 : i32
    %dma_wait3A_92 = tpu.memref_slice %arg5[%dma_wait3A_91, %add3A_72] : memref<32x32768xf32, #tpu.memory_space<hbm>> -> memref<32x256xf32, #tpu.memory_space<hbm>>
    %dma_wait3A_93 = arith.constant 0 : i32
    %dma_wait3A_94 = tpu.memref_slice %arg5[%dma_wait3A_93, %add3A_72] : memref<32x32768xf32, #tpu.memory_space<hbm>> -> memref<32x256xf32, #tpu.memory_space<hbm>>
    tpu.wait_dma2 semaphore(%arg17 : memref<!tpu.dma_semaphore, #tpu.memory_space<semaphore_mem>>) src(%arg11 : memref<32x256xf32, #tpu.memory_space<vmem>>) dst(%dma_wait3A_94 : memref<32x256xf32, #tpu.memory_space<hbm>>)
    %dma_wait3A_95 = arith.constant 0 : i32
    %dma_wait3A_96 = tpu.memref_slice %arg6[%dma_wait3A_95, %add3A_78] : memref<32x32768xf32, #tpu.memory_space<hbm>> -> memref<32x256xf32, #tpu.memory_space<hbm>>
    %dma_wait3A_97 = arith.constant 0 : i32
    %dma_wait3A_98 = tpu.memref_slice %arg6[%dma_wait3A_97, %add3A_78] : memref<32x32768xf32, #tpu.memory_space<hbm>> -> memref<32x256xf32, #tpu.memory_space<hbm>>
    tpu.wait_dma2 semaphore(%arg19 : memref<!tpu.dma_semaphore, #tpu.memory_space<semaphore_mem>>) src(%arg13 : memref<32x256xf32, #tpu.memory_space<vmem>>) dst(%dma_wait3A_98 : memref<32x256xf32, #tpu.memory_space<hbm>>)
    return
  }
}

</mosaic_0001>

<sc_bundles>
// kernel: _sc_spline.3.cloned.1.call-start
scs
__scs_entry_jumppad:
0x0: {  	(pc) =	sbr.rel $0x88, $3  }
0x1: {  	(tag) =	ssettag $0x0;
	lr =	simm.s32 $0x1  }
0x2: {  	[smem:$0x3F9E] =	sst lr;
	_ =	strace $0xD0000000  }
0x3: {  	_ = 	snop  }
0x4: {  	_ = 	snop  }
0x5: {  	_ = 	snop  }
0x6: {  	_ = 	snop  }
0x7: {  	_ = 	snop  }
__scs_overlays_trampoline_lowered:
0x8: {  	[smem:$0x3FAD] =	sst s0  }
0x9: {  	[smem:$0x3FAE] =	sst s1  }
0xa: {  	[smem:$0x3FAF] =	sst s2  }
0xb: {  	[smem:$0x3FB0] =	sst s3  }
0xc: {  	[smem:$0x3FB1] =	sst s4  }
0xd: {  	[smem:$0x3FB2] =	sst s5  }
0xe: {  	[smem:$0x3FB3] =	sst s6  }
0xf: {  	[smem:$0x3FB4] =	sst s7  }
0x10: {  	[smem:$0x3FB5] =	sst s8  }
0x11: {  	[smem:$0x3FB6] =	sst s9;
	s0 =	simm.s32 @!p0 $0x0  }
0x12: {  	s1 =	sld [smem:$0x3F9C];
	s0 =	simm.s32 @p0 $0x1  }
0x13: {  	[smem:$0x3FB7] =	sst s0;
	s0 =	simm.s32 @!p1 $0x0  }
0x14: {  	s2 =	sld [smem:$0x3F9B];
	s0 =	simm.s32 @p1 $0x1  }
0x15: {  	[smem:$0x3FB8] =	sst s0;
	s0 =	simm.s32 @!p2 $0x0  }
0x16: {  	s3 =	sld [smem:$0x3FDB];
	s0 =	simm.s32 @p2 $0x1  }
0x17: {  	s4 =	simm.s32 $0x1BF5;
	[smem:$0x3FBA] =	sst s0  }
0x18: {  	s0 =	sld [smem:$0x3F9D];
	_ =	swait.ge [sflag:s4], $0x0  }
0x19: {  	s7 =	sld [smem:$0x3F9E]  }
0x1a: {  	s8 =	sadd.s32 $0xFFFFE003, lr  }
0x1b: {  	s9 =	sadd.s32 $0xFFFFFEF7, lr;
	s5 =	simm.s32 $0xFFFFFFFF;
	p2 =	slt.u32 s8, $0xFFFFF086  }
0x1c: {  	p1 =	slt.u32 s9, $0xF7A;
	s5 =	simm.s32 @!p2 $0x0  }
0x1d: {  	s5 =	simm.s32 @p1 $0x1;
	p0 =	seq.s32 s7, s2  }
0x1e: {  	s7 =	smul.u32 @!p0 $0xF7A, s2;
	p2 =	seq.s32 @!p0 s5, $0x0  }
0x1f: {  	s9 =	smul.u32 $0xF7A, s1;
	s8 =	simm.s32 @!p0 $0x1BF5;
	p2 =	por !p2, p0  }
0x20: {  	[sflag:s8] =	ssyncset.s32 @!p0 $0xFFFFF086;
	s6 =	sadd.s32 @!p0 s3, s7;
	s7 =	simm.s32 @!p0 $0x108  }
0x21: {  	s3 =	sadd.s32 s3, s9;
	s6 =	sadd.s32 @!p0 $0x88, s6;
	s7 =	simm.s32 @p2 $0x1082  }
0x22: {  	[simem:s7], [sflag:s8] =	dma.local @!p0 [hbm:s6], $0xF7A  }
0x23: {  	s9 =	sor.u32 $0xD0000000, s2;
	s6 =	simm.s32 $0x108;
	_ =	swait.ge @!p0 [sflag:s8], $0x0  }
0x24: {  	s3 =	sadd.s32 $0x88, s3;
	s6 =	simm.s32 @!p1 $0x1082;
	[sflag:s4] =	ssyncset.s32 $0xFFFFF086  }
0x25: {  	[simem:s6], [sflag:s4] =	dma.local [hbm:s3], $0xF7A  }
0x26: {  	[smem:$0x3F9E] =	sst s1;
	(tag) =	ssettag s2;
	_ =	strace s9  }
0x27: {  	s1 =	sld [smem:$0x3FAE]  }
0x28: {  	s2 =	sld [smem:$0x3FAF]  }
0x29: {  	s4 =	sld [smem:$0x3FB1]  }
0x2a: {  	p0 =	seq.s32 s5, $0x0;
	s5 =	sld [smem:$0x3FB2]  }
0x2b: {  	s6 =	sld [smem:$0x3FB3]  }
0x2c: {  	s7 =	sld [smem:$0x3FB4]  }
0x2d: {  	s3 =	simm.s32 $0x108;
	s8 =	sld [smem:$0x3FB5]  }
0x2e: {  	s3 =	simm.s32 @!p0 $0x1082;
	s9 =	sld [smem:$0x3FB6]  }
0x2f: {  	lr =	sadd.s32 s0, s3;
	s0 =	sld [smem:$0x3FAD]  }
0x30: {  	s3 =	sld [smem:$0x3FB0]  }
0x31: {  	[smem:$0x3FB9] =	sst s10  }
0x32: {  	s10 =	sld [smem:$0x3FB7];
	_ =	sdelay $0x3  }
0x33: {  	p0 =	seq.s32 s10, $0x1;
	s10 =	sld [smem:$0x3FB9];
	_ =	sdelay $0x3  }
0x34: {  	[smem:$0x3FB9] =	sst s10  }
0x35: {  	s10 =	sld [smem:$0x3FB8];
	_ =	sdelay $0x3  }
0x36: {  	p1 =	seq.s32 s10, $0x1;
	s10 =	sld [smem:$0x3FB9];
	_ =	sdelay $0x3  }
0x37: {  	[smem:$0x3FB9] =	sst s10  }
0x38: {  	s10 =	sld [smem:$0x3FBA]  }
0x39: {  	_ = 	snop;
	(pc) =	sbr.ind lr, $3  }
0x3a: {  	_ = 	snop  }
0x3b: {  	_ = 	snop  }
0x3c: {  	p2 =	seq.s32 s10, $0x1;
	s10 =	sld [smem:$0x3FB9]  }
0x3d: {  	_ =	shalt  }
0x3e: {  	_ =	shalt  }
0x3f: {  	_ =	shalt  }
0x40: {  	_ =	shalt  }
0x41: {  	_ =	shalt  }
0x42: {  	_ =	shalt  }
0x43: {  	_ =	shalt  }
0x44: {  	_ =	shalt  }
0x45: {  	_ =	shalt  }
0x46: {  	_ =	shalt  }
0x47: {  	_ =	shalt  }
0x48: {  	_ =	shalt  }
0x49: {  	_ =	shalt  }
0x4a: {  	_ =	shalt  }
0x4b: {  	_ =	shalt  }
0x4c: {  	_ =	shalt  }
0x4d: {  	_ =	shalt  }
0x4e: {  	_ =	shalt  }
0x4f: {  	_ =	shalt  }
0x50: {  	_ =	shalt  }
0x51: {  	_ =	shalt  }
0x52: {  	_ =	shalt  }
0x53: {  	_ =	shalt  }
0x54: {  	_ =	shalt  }
0x55: {  	_ =	shalt  }
0x56: {  	_ =	shalt  }
0x57: {  	_ =	shalt  }
0x58: {  	_ =	shalt  }
0x59: {  	_ =	shalt  }
0x5a: {  	_ =	shalt  }
0x5b: {  	_ =	shalt  }
0x5c: {  	_ =	shalt  }
0x5d: {  	_ =	shalt  }
0x5e: {  	_ =	shalt  }
0x5f: {  	_ =	shalt  }
0x60: {  	_ =	shalt  }
0x61: {  	_ =	shalt  }
0x62: {  	_ =	shalt  }
0x63: {  	_ =	shalt  }
0x64: {  	_ =	shalt  }
0x65: {  	_ =	shalt  }
0x66: {  	_ =	shalt  }
0x67: {  	_ =	shalt  }
0x68: {  	_ =	shalt  }
0x69: {  	_ =	shalt  }
0x6a: {  	_ =	shalt  }
0x6b: {  	_ =	shalt  }
0x6c: {  	_ =	shalt  }
0x6d: {  	_ =	shalt  }
0x6e: {  	_ =	shalt  }
0x6f: {  	_ =	shalt  }
0x70: {  	_ =	shalt  }
0x71: {  	_ =	shalt  }
0x72: {  	_ =	shalt  }
0x73: {  	_ =	shalt  }
0x74: {  	_ =	shalt  }
0x75: {  	_ =	shalt  }
0x76: {  	_ =	shalt  }
0x77: {  	_ =	shalt  }
0x78: {  	_ =	shalt  }
0x79: {  	_ =	shalt  }
0x7a: {  	_ =	shalt  }
0x7b: {  	_ =	shalt  }
0x7c: {  	_ =	shalt  }
0x7d: {  	_ =	shalt  }
0x7e: {  	_ =	shalt  }
0x7f: {  	_ =	shalt  }
0x80: {  	_ =	shalt  }
0x81: {  	_ =	shalt  }
0x82: {  	_ =	shalt  }
0x83: {  	_ =	shalt  }
0x84: {  	_ =	shalt  }
0x85: {  	_ =	shalt  }
0x86: {  	_ =	shalt  }
0x87: {  	_ =	shalt  }
.Lfunc_end0:
.L_simem_size_0:
called_computation_lowered:
.L_overlay_start_0:
0x88: {  	s2 =	sld [smem:$0x3FD9]  }
0x89: {  	s3 =	sld [smem:$0x3FFE];
	_ =	sdelay $0x1  }
0x8a: {  	s1 =	srdreg.scid  }
0x8b: {  	s0 =	sand.u32 $0x1, s1  }
0x8c: {  	s15 =	sshll.u32 s0, $0xA;
	s2 =	sadd.s32 s3, s2  }
0x8d: {  	s2 =	sadd.s32 s2, s15  }
0x8e: {  	[smem:$0x3FC5] =	sst s2  }
0x8f: {  	_ = 	snop  }
0x90: {  	s2 =	sld [smem:$0x3FD0]  }
0x91: {  	s16 =	sld [smem:$0x3FC9]  }
0x92: {  	s4 =	sld [smem:$0x3FC8]  }
0x93: {  	s6 =	simm.s32 $0xA;
	s7 =	simm.s32 $0x10;
	s5 =	sld [smem:$0x3FC7]  }
0x94: {  	[smem:s7], [sflag:s6] =	dma.local [hbm:s2], $0x1  }
0x95: {  	_ =	swait.eq [sflag:s6], $0x1  }
0x96: {  	[sflag:s6] =	ssyncset.done $0x0  }
0x97: {  	s17 =	sld [smem:$0x10];
	[sflag:s6] =	ssyncadd.s32 $0xFFFFFFFF  }
0x98: {  	s18 =	sld [smem:$0x11];
	(tm) =	ssettm $0x1  }
0x99: {  	s19 =	sld [smem:$0x3FFB];
	_ =	sdelay $0x3  }
0x9a: {  	_ =	strace s19  }
0x9b: {  	s7 =	sld [smem:$0x3FFC];
	_ =	sdelay $0x3  }
0x9c: {  	_ =	strace s7  }
0x9d: {  	s7 =	sld [smem:$0x3FFD];
	_ =	sdelay $0x3  }
0x9e: {  	_ =	strace s7  }
0x9f: {  	_ =	strace $0x8FFFFFFF  }
0xa0: {  	s20 =	sld [smem:$0x3FDB];
	_ =	sdelay $0x1  }
0xa1: {  	s8 =	simm.s32 $_scs_section_size  }
0xa2: {  	s9 =	simm.s32 $_size__tile_overlayer_lowered;
	s10 =	simm.s32 $_tile_overlayer_lowered  }
0xa3: {  	s23 =	simm.s32 $0x1BFF;
	s22 =	sshll.u32 s10, $0x1;
	s7 =	sadd.s32 s8, s20  }
0xa4: {  	s11 =	simm.s32 $0x0;
	s21 =	sshll.u32 s9, $0x1;
	s9 =	sadd.s32 s22, s7  }
0xa5: {  	[timem:s11], [sflag:s23] =	dma.local [hbm:s9], s21  }
0xa6: {  	_ =	swait.ge [sflag:s23], s21  }
0xa7: {  	s8 =	ssub.s32 $0x0, s21;
	[sflag:s23] =	ssyncset.done $0x0  }
0xa8: {  	[sflag:s23] =	ssyncadd.s32 s8;
	_ =	sdelay $0x1  }
0xa9: {  	s24 =	simm.s32 $0x1B8B  }
0xaa: {  	_ =	swait.ge [sflag:s24], $0x1  }
0xab: {  	[sflag:s24] =	ssyncset.done $0x0  }
0xac: {  	s25 =	simm.s32 $0x1B8E;
	[sflag:s24] =	ssyncadd.s32 $0xFFFFFFFF  }
0xad: {  	s26 =	simm.s32 $execute0_lowered;
	[smem:$0x3FD2] =	sst s25  }
0xae: {  	s8 =	sshll.u32 s26, $0x1;
	_ =	strace $0x80000046;
	[dreg:$0x1] =	wrdreg $0xFFFFFFFF  }
0xaf: {  	s28 =	simm.s32 $_size_execute0_lowered;
	s7 =	sadd.s32 s7, s8;
	[dreg:$0x0] =	wrdreg $0x0  }
0xb0: {  	s8 =	sshll.u32 s28, $0x1;
	[dreg:$0x2] =	wrdreg s7  }
0xb1: {  	[dreg:$0x3] =	wrdreg s8  }
0xb2: {  	[dreg:$0x4] =	wrdreg $0xC0  }
0xb3: {  	_ =	task [dreg:s11], $0x5FFFF  }
0xb4: {  	[dreg:$0x1] =	wrdreg $0xFFFFFFFF  }
0xb5: {  	[dreg:$0x0] =	wrdreg $0x60  }
0xb6: {  	[dreg:$0x2] =	wrdreg s16  }
0xb7: {  	[dreg:$0x3] =	wrdreg s4  }
0xb8: {  	[dreg:$0x4] =	wrdreg s5  }
0xb9: {  	[dreg:$0x5] =	wrdreg s17  }
0xba: {  	[dreg:$0x6] =	wrdreg s18  }
0xbb: {  	[dreg:$0x7] =	wrdreg $0x9  }
0xbc: {  	_ =	task.clear_ibuf [dreg:s11], $0x8FFFF;
	_ =	strace $0x90000046  }
0xbd: {  	s29 =	simm.s32 $0x9;
	_ =	strace $0x80000048  }
0xbe: {  	_ =	swait.ge [sflag:s29], $0x1  }
0xbf: {  	[sflag:s29] =	ssyncadd.s32 $0xFFFFFFFF  }
0xc0: {  	_ =	strace $0x90000048  }
0xc1: {  	_ =	sfence  }
0xc2: {  	s30 =	sld [smem:$0x0];
	_ =	sdelay $0x2  }
0xc3: {  	s31 =	sshll.u32 s1, $0xD;
	s1 =	sshrl.u32 s1, $0x2  }
0xc4: {  	s3 =	sand.u32 $0x4000, s31;
	s1 =	sadd.s32 s1, s30  }
0xc5: {  	s0 =	sor.u32 s3, s0;
	s1 =	sshll.u32 s1, $0x11  }
0xc6: {  	s0 =	sor.u32 s1, s0  }
0xc7: {  	s0 =	sadd.s32 $0x8F2B, s0  }
0xc8: {  	[sflag:s0] =	ssyncadd.remote.s32 $0x1  }
0xc9: {  	_ =	sfence.sel $0xFFFF  }
0xca: {  	[dreg:$0x0] =	wrdreg $0xFFFFFFFF;
	(pc) =	sbr.abs _section_cstart, $3  }
0xcb: {  	[dreg:$0x1] =	wrdreg $0xFFFFFFFF  }
0xcc: {  	_ =	task.clear_ibuf [dreg:s11], $0x2FFFF;
	_ =	strace $0x9FFFFFFF  }
0xcd: {  	(tm) =	ssettm $0x7FFFFFFF  }
tec
execute0_lowered:
.L_overlay_start_1:
0x0: {  	(tag) =	ssettag $0x1  }
0x1: {  	s0 =	rddreg [dreg:$0x0]  }
0x2: {  	s1 =	srdreg.scid;
	s2 =	rddreg [dreg:$0x3]  }
0x3: {  	s3 =	stileid.u32;
	s13 =	rddreg [dreg:$0x4];
	s4 =	simm.s32 $0x0  }
0x4: {  	s15 =	simm.s32 $0x800;
	s16 =	simm.s32 $0x40000;
	s18 =	simm.s32 $0x7  }
0x5: {  	s19 =	simm.s32 $0x1800;
	s20 =	simm.s32 $0x1;
	s22 =	simm.s32 $0xD800  }
0x6: {  	s23 =	simm.s32 $0x11800;
	s1 =	sand.u32 $0x1, s1;
	s3 =	sshll.u32 s3, $0x1  }
0x7: {  	s24 =	simm.s32 $0x2;
	s28 =	simm.s32 $0x3;
	s3 =	sor.u32 s1, s3  }
0x8: {  	s29 =	simm.s32 $0x5;
	s30 =	simm.s32 $0x4;
	s5 =	smul.u32 $0x1800, s3  }
0x9: {  	[smem:$0x7FF] =	sst s4;
	s1 =	ssub.s32 $0x2, s1;
	s3 =	smul.u32 $0x300, s3  }
0xa: {  	s31 =	simm.s32 $0x6;
	_ =	strace $0x80000047;
	s6 =	sshrl.u32 s1, $0x1  }
0xb: {  	s1 =	ssub.s32 s1, s6;
	s8 =	sshrl.u32 s5, $0x3;
	s5 =	sadd.s32 s0, s3  }
0xc: {  	s7 =	sadd.s32 s2, s3;
	s11 =	sadd.s32 $0x100, s8;
	s14 =	sadd.s32 $0x200, s8  }
0xd: {  	s8 =	sadd.s32 s13, s3;
	s3 =	simm.s32 $0x0;
	s6 =	sadd.s32 s0, s11  }
0xe: {  	s9 =	sadd.s32 s0, s14;
	s10 =	sadd.s32 s2, s11;
	s11 =	sadd.s32 s13, s11  }
0xf: {  	v0 =	vimm.s32 $0x0;
	s12 =	sadd.s32 s2, s14;
	s13 =	sadd.s32 s13, s14;
	s14 =	smax.u32 s1, $0x1  }
.LBB2_1:
0x10: {  	s0 =	simm.s32 $0x9800  }
0x11: {  	[tilespmem:s0], [sflag:$0x1] =	stream.strided.gather [hbm4b:s5+s15], $0x2000, s16, s15, $0x38;
	[tilespmem:$0x15800] =	vst v63  }
0x12: {  	s17 =	rddreg [dreg:$0x1]  }
0x13: {  	[tilespmem:s4], [sflag:$0x7] =	stream.linear.gather [hbm4b:s17+s4], $0x1800, $0x38;
	[tilespmem:$0x15800] =	vst v63  }
0x14: {  	_ =	swait.ge [sflag:s18], $0x1800  }
0x15: {  	[sflag:s18] =	ssyncset.done $0x0  }
0x16: {  	[sflag:s18] =	ssyncadd.s32 $0xFFFFE800  }
0x17: {  	s21 =	rddreg [dreg:$0x2]  }
0x18: {  	[tilespmem:s19], [sflag:$0x7] =	stream.linear.gather [hbm4b:s21+s4], $0x8000, $0x38;
	[tilespmem:$0x15800] =	vst v63  }
0x19: {  	_ =	swait.ge [sflag:s18], $0x8000  }
0x1a: {  	s26 =	sand.u32 $0x1800, s4;
	[sflag:s18] =	ssyncset.done $0x0  }
0x1b: {  	s1 =	sand.u32 $0x400, s4;
	s2 =	simm.s32 $0x0;
	[sflag:s18] =	ssyncadd.s32 $0xFFFF8000  }
0x1c: {  	s0 =	sor.u32 s1, s26;
	s2 =	sand.u32 $0x380, s2;
	_ =	swait.ge [sflag:s20], $0x2000  }
0x1d: {  	s0 =	sor.u32 s2, s0;
	s17 =	sand.u32 $0x40, s4;
	[sflag:s20] =	ssyncset.done $0x0  }
0x1e: {  	s25 =	simm.s32 $0xB800;
	s0 =	sor.u32 s17, s0;
	[sflag:s20] =	ssyncadd.s32 $0xFFFFE000  }
0x1f: {  	[tilespmem:s25], [sflag:$0x2] =	stream.strided.gather [hbm4b:s6+s15], $0x2000, s16, s15, $0x38;
	[tilespmem:$0x15800] =	vst v63  }
0x20: {  	v1 =	vld [tilespmem:s0+$0x9830];
	_ =	sdelay $0x2  }
0x21: {  	v4 =	vld [tilespmem:s0+$0x9800]  }
0x22: {  	v3 =	vld [tilespmem:s0+$0x9810]  }
0x23: {  	v5 =	vmul.f32 $1.024000000e+03, v1;
	_ =	sdelay $0x1  }
0x24: {  	v2 =	vld [tilespmem:s0+$0x9820];
	v5 =	vtrunc.f32 v5  }
0x25: {  	v6 =	vmul.f32 $1.024000000e+03, v4;
	v5 =	vcvt.f32.s32 v5  }
0x26: {  	v7 =	vmul.f32 $1.024000000e+03, v3  }
0x27: {  	v6 =	vtrunc.f32 v6;
	vm0 =	vgt.s32 v5, $0x0  }
0x28: {  	v7 =	vtrunc.f32 v7;
	v6 =	vcvt.f32.s32 v6;
	v5 =	vnsel vm0, $0x0, v5  }
0x29: {  	s21 =	simm.s32 $0x0;
	v8 =	vmul.f32 $1.024000000e+03, v2;
	v7 =	vcvt.f32.s32 v7;
	v5 =	vmin.u32 v5, $0x3FF  }
0x2a: {  	vm0 =	vgt.s32 v6, $0x0;
	v5 =	vor.u32 s21, v5  }
0x2b: {  	v8 =	vtrunc.f32 v8;
	v6 =	vnsel vm0, $0x0, v6;
	vm0 =	vgt.s32 v7, $0x0  }
0x2c: {  	v8 =	vcvt.f32.s32 v8;
	v7 =	vnsel vm0, $0x0, v7  }
0x2d: {  	v7 =	vmin.u32 v7, $0x3FF  }
0x2e: {  	v6 =	vmin.u32 v6, $0x3FF;
	vm0 =	vgt.s32 v8, $0x0;
	v7 =	vor.u32 s21, v7  }
0x2f: {  	v6 =	vor.u32 s21, v6;
	v8 =	vnsel vm0, $0x0, v8;
	v5 =	vld.idx.msk [tilespmem:v5+s19+$0x0], $0xffff  }
0x30: {  	v8 =	vmin.u32 v8, $0x3FF  }
0x31: {  	v8 =	vor.u32 s21, v8  }
0x32: {  	s25 =	simm.s32 $0x0  }
0x33: {  	s26 =	sor.u32 $0x1, s25;
	v7 =	vld.idx.msk [tilespmem:v7+s19+$0x0], $0xffff  }
0x34: {  	v6 =	vld.idx.msk [tilespmem:v6+s19+$0x0], $0xffff;
	v9 =	vadd.s32 s26, v5;
	_ =	sdelay $0x1  }
0x35: {  	v10 =	vld.idx.msk [tilespmem:v8+s19+$0x0], $0xffff;
	_ =	sdelay $0x1  }
0x36: {  	v11 =	vadd.s32 s26, v7  }
0x37: {  	v8 =	vadd.s32 s26, v6;
	v9 =	vld.idx.msk [tilespmem:v9+s4+$0x0], $0xffff;
	_ =	sdelay $0x1  }
0x38: {  	v12 =	vadd.s32 s26, v10;
	_ =	sdelay $0x1  }
0x39: {  	v11 =	vld.idx.msk [tilespmem:v11+s4+$0x0], $0xffff  }
0x3a: {  	v8 =	vld.idx.msk [tilespmem:v8+s4+$0x0], $0xffff;
	vm0 =	vle.f32 v9, v1  }
0x3b: {  	v9 =	vsel vm0, $0x1, v0  }
0x3c: {  	v12 =	vld.idx.msk [tilespmem:v12+s4+$0x0], $0xffff;
	v5 =	vadd.s32 v9, v5  }
0x3d: {  	vm1 =	vlt.s32 v5, $0x1D  }
0x3e: {  	vm2 =	vle.f32 v11, v3;
	v5 =	vnsel vm1, $0x1D, v5  }
0x3f: {  	v9 =	vsel vm2, $0x1, v0;
	vm1 =	vle.f32 v8, v4;
	v8 =	vadd.s32 s25, v5  }
0x40: {  	v7 =	vadd.s32 v9, v7;
	v5 =	vsel vm1, $0x1, v0;
	v11 =	vadd.s32 $0x400, v8  }
0x41: {  	vm1 =	vle.f32 v12, v2;
	v5 =	vadd.s32 v5, v6;
	v6 =	vadd.s32 $0x800, v8  }
0x42: {  	vm2 =	vlt.s32 v7, $0x1D;
	v12 =	vsel vm1, $0x1, v0;
	v9 =	vadd.s32 $0x1000, v8  }
0x43: {  	v13 =	vadd.s32 $0x1401, v8;
	v7 =	vnsel vm2, $0x1D, v7;
	v10 =	vadd.s32 v12, v10  }
0x44: {  	vm1 =	vlt.s32 v5, $0x1D;
	v12 =	vadd.s32 $0x1400, v8;
	v7 =	vadd.s32 s25, v7  }
0x45: {  	v5 =	vnsel vm1, $0x1D, v5;
	vm1 =	vlt.s32 v10, $0x1D;
	v16 =	vadd.s32 $0x400, v7;
	v11 =	vld.idx.msk [tilespmem:v11+s4+$0x0], $0xffff  }
0x46: {  	v25 =	vadd.s32 $0x1400, v7;
	v14 =	vadd.s32 s25, v5;
	v5 =	vnsel vm1, $0x1D, v10;
	v6 =	vld.idx.msk [tilespmem:v6+s4+$0x0], $0xffff  }
0x47: {  	v26 =	vadd.s32 $0x1401, v7;
	v15 =	vadd.s32 s25, v5;
	v5 =	vld.idx.msk [tilespmem:v9+s4+$0x0], $0xffff  }
0x48: {  	v10 =	vadd.s32 $0x400, v14;
	v13 =	vld.idx.msk [tilespmem:v13+s4+$0x0], $0xffff  }
0x49: {  	v17 =	vadd.s32 $0x800, v14;
	v12 =	vld.idx.msk [tilespmem:v12+s4+$0x0], $0xffff  }
0x4a: {  	v28 =	vadd.s32 $0x1400, v15;
	v16 =	vld.idx.msk [tilespmem:v16+s4+$0x0], $0xffff  }
0x4b: {  	v31 =	vadd.s32 $0x1401, v15;
	v29 =	vld.idx.msk [tilespmem:v25+s4+$0x0], $0xffff  }
0x4c: {  	v9 =	vadd.s32 $0x400, v15;
	v26 =	vld.idx.msk [tilespmem:v26+s4+$0x0], $0xffff;
	v11 =	vsub.f32 v1, v11  }
0x4d: {  	v18 =	vadd.s32 $0x1000, v14;
	v10 =	vld.idx.msk [tilespmem:v10+s4+$0x0], $0xffff  }
0x4e: {  	v19 =	vadd.s32 $0x800, v7;
	v17 =	vld.idx.msk [tilespmem:v17+s4+$0x0], $0xffff;
	v33 =	vmul.f32 v5, v6;
	v11 =	vmul.f32 v6, v11  }
0x4f: {  	v20 =	vadd.s32 $0x1000, v7;
	v35 =	vadd.s32 $0xC00, v7;
	v21 =	vadd.s32 $0x800, v15;
	v28 =	vld.idx.msk [tilespmem:v28+s4+$0x0], $0xffff  }
0x50: {  	v40 =	vld.idx.msk [tilespmem:v31+s4+$0x0], $0xffff;
	v7 =	vadd.f32 v13, v12;
	v36 =	vadd.f32 v33, v33;
	v34 =	vmul.f32 v11, v11  }
0x51: {  	vm3 =	vle.f32 v3, $1.000000000e+00;
	vm5 =	vge.f32 v2, $0.0e+00;
	v22 =	vadd.s32 $0x1000, v15;
	v27 =	vld.idx.msk [tilespmem:v9+s4+$0x0], $0xffff  }
0x52: {  	v23 =	vadd.s32 $0x1400, v14;
	v6 =	vld.idx.msk [tilespmem:v18+s4+$0x0], $0xffff;
	v9 =	vsub.f32 v7, v36;
	v37 =	vsub.f32 v11, v34  }
0x53: {  	vm0 =	vge.f32 v4, $0.0e+00;
	vm2 =	vge.f32 v3, $0.0e+00;
	v24 =	vadd.s32 $0x1401, v14;
	v18 =	vld.idx.msk [tilespmem:v19+s4+$0x0], $0xffff  }
0x54: {  	v42 =	vadd.f32 v26, v29;
	v7 =	vld.idx.msk [tilespmem:v20+s4+$0x0], $0xffff;
	v10 =	vsub.f32 v4, v10;
	v19 =	vmul.f32 v9, v37  }
0x55: {  	vm4 =	vmand vm2, vm3;
	v20 =	vld.idx.msk [tilespmem:v21+s4+$0x0], $0xffff;
	v21 =	vsub.f32 v3, v16;
	v57 =	vadd.f32 v40, v28  }
0x56: {  	v38 =	vmul.f32 v33, v34;
	v10 =	vmul.f32 v17, v10;
	v9 =	vld.idx.msk [tilespmem:v22+s4+$0x0], $0xffff;
	v19 =	vadd.f32 v19, v33  }
0x57: {  	v13 =	vmul.f32 v13, v34;
	v16 =	vmul.f32 v6, v17;
	v22 =	vsub.f32 v2, v27;
	v27 =	vld.idx.msk [tilespmem:v23+s4+$0x0], $0xffff  }
0x58: {  	v11 =	vsub.f32 $1.000000000e+00, v11;
	v39 =	vmul.f32 v18, v21;
	v23 =	vld.idx.msk [tilespmem:v24+s4+$0x0], $0xffff;
	(erf) = vrcp.f32 v19  }
0x59: {  	v17 =	vmul.f32 v10, v10;
	v24 =	vsub.f32 $1.000000000e+00, v10;
	v36 =	vmul.f32 v36, v37  }
0x5a: {  	v11 =	vmul.f32 v11, v11;
	v37 =	vmul.f32 v37, v12;
	v25 =	vadd.f32 v16, v16  }
0x5b: {  	v18 =	vmul.f32 v7, v18;
	v56 =	vsub.f32 $1.000000000e+00, v39;
	v30 =	vsub.f32 v10, v17  }
0x5c: {  	v22 =	vmul.f32 v20, v22;
	v13 =	vadd.f32 v36, v13;
	v11 =	vmul.f32 v11, v12  }
0x5d: {  	v10 =	vadd.f32 v18, v18;
	v19 =	vmul.f32 v39, v39;
	v41 =	vadd.f32 v23, v27  }
0x5e: {  	v21 =	vmul.f32 v22, v22;
	v11 =	vadd.f32 v13, v11;
	v20 =	vmul.f32 v9, v20  }
0x5f: {  	v12 =	vmul.f32 v25, v30;
	v32 =	vsub.f32 v39, v19;
	v25 =	vsub.f32 v41, v25  }
0x60: {  	v33 =	vmul.f32 v33, v33;
	v58 =	vsub.f32 v42, v10;
	v55 =	vadd.f32 v20, v20  }
0x61: {  	v31 =	vsub.f32 v22, v21;
	v13 =	vmul.f32 v10, v32;
	v25 =	vmul.f32 v25, v30;
	v10 =	vpop (erf)  }
0x62: {  	v11 =	vmul.f32 v11, v33;
	v39 =	vsub.f32 v57, v55;
	v59 =	vmul.f32 v10, v10  }
0x63: {  	vm1 =	vle.f32 v4, $1.000000000e+00;
	v24 =	vmul.f32 v24, v24;
	v25 =	vadd.f32 v25, v16  }
0x64: {  	v43 =	vsub.f32 $1.000000000e+00, v22;
	v22 =	vmul.f32 v39, v31;
	v34 =	vmul.f32 v59, v11  }
0x65: {  	v14 =	vadd.s32 $0xC00, v14;
	v41 =	vmul.f32 v58, v32;
	(erf) = vrcp.f32 v25  }
0x66: {  	v25 =	vadd.f32 v22, v20;
	v11 =	vmul.f32 v23, v17;
	v22 =	vand.u32 $0x7FFFFF, v34  }
0x67: {  	v26 =	vmul.f32 v26, v19;
	v23 =	vadd.f32 v41, v18;
	v22 =	vor.u32 $0x3F800000, v22  }
0x68: {  	v60 =	vmul.f32 v55, v31;
	v11 =	vadd.f32 v12, v11;
	v12 =	vmul.f32 $4.392862690e-02, v22  }
0x69: {  	v13 =	vadd.f32 v13, v26;
	v26 =	vmul.f32 v43, v43;
	(erf) = vrcp.f32 v23  }
0x6a: {  	(erf) = vrcp.f32 v25;
	v25 =	vmul.f32 v40, v21;
	v12 =	vadd.f32 $-4.094755950e-01, v12  }
0x6b: {  	v15 =	vadd.s32 $0xC00, v15;
	v24 =	vmul.f32 v24, v27;
	v23 =	vmul.f32 v56, v56  }
0x6c: {  	v26 =	vmul.f32 v26, v28;
	v25 =	vadd.f32 v60, v25;
	v12 =	vmul.f32 v22, v12  }
0x6d: {  	vm0 =	vmand vm0, vm1;
	v23 =	vmul.f32 v23, v29;
	v24 =	vadd.f32 v11, v24  }
0x6e: {  	v61 =	vmul.f32 v16, v16;
	v11 =	vld.idx.msk [tilespmem:v14+s4+$0x0], $0xffff;
	v14 =	vadd.f32 v25, v26;
	v26 =	vadd.f32 $1.610177520e+00, v12  }
0x6f: {  	vm1 =	vle.f32 v2, $1.000000000e+00;
	v62 =	vmul.f32 v18, v18;
	v23 =	vadd.f32 v13, v23  }
0x70: {  	vm5 =	vmand vm5, vm1;
	v63 =	vmul.f32 v20, v20;
	v24 =	vmul.f32 v24, v61;
	v25 =	vpop (erf)  }
0x71: {  	vm0 =	vmmov vm0;
	v15 =	vld.idx.msk [tilespmem:v15+s4+$0x0], $0xffff;
	v23 =	vmul.f32 v23, v62;
	v33 =	vmul.f32 v25, v25  }
0x72: {  	s1 =	simm.s32 $0x0;
	s2 =	simm.s32 $0x0;
	s21 =	simm.s32 $0x0;
	v13 =	vadd.f32 v37, v38;
	v14 =	vmul.f32 v14, v63;
	v12 =	vld.idx.msk [tilespmem:v35+s4+$0x0], $0xffff;
	v35 =	vmul.f32 v22, v26;
	v26 =	vpop (erf)  }
.LBB2_2:
0x73: {  	v36 =	vmul.f32 v33, v24  }
0x74: {  	s1 =	sadd.s32 $0x4, s1;
	v24 =	vmul.f32 v26, v26;
	s2 =	sadd.s32 $0x200, s2;
	s21 =	sadd.s32 $0x40, s21;
	v33 =	vpop (erf);
	vm3 =	vmmov vm4;
	vm1 =	vmmov vm5  }
0x75: {  	v27 =	vmul.f32 v30, v27;
	s25 =	sand.u32 $0x1800, s21;
	s26 =	sand.u32 $0x400, s2;
	s17 =	sshll.u32 s1, $0x3;
	v30 =	vmul.f32 v33, v33;
	v35 =	vadd.f32 $-3.520218850e+00, v35  }
0x76: {  	v29 =	vmul.f32 v32, v29;
	p0 =	slt.u32 s1, $0x1FC;
	s25 =	sor.u32 s26, s25;
	s17 =	sand.u32 $0x380, s17;
	v37 =	vand.u32 $0x7FFFFF, v36;
	v32 =	vmul.f32 v24, v23  }
0x77: {  	s26 =	sand.u32 $0x40, s21;
	s17 =	sor.u32 s17, s25;
	v37 =	vor.u32 $0x3F800000, v37;
	v30 =	vmul.f32 v30, v14;
	v23 =	vmul.f32 v22, v35  }
0x78: {  	v28 =	vmul.f32 v31, v28;
	s25 =	sor.u32 s26, s17;
	v24 =	vmul.f32 $4.392862690e-02, v37;
	v35 =	vand.u32 $0x7FFFFF, v32  }
0x79: {  	v14 =	vld [tilespmem:s25+$0x9830];
	v31 =	vor.u32 $0x3F800000, v35;
	v35 =	vand.u32 $0x7FFFFF, v30;
	v38 =	vadd.f32 $5.069756510e+00, v23  }
0x7a: {  	v23 =	vld [tilespmem:s25+$0x9800];
	v39 =	vadd.f32 $-4.094755950e-01, v24;
	v40 =	vmul.f32 $4.392862690e-02, v31;
	v35 =	vor.u32 $0x3F800000, v35  }
0x7b: {  	v34 =	vshra.s32 v34, $0x17;
	v24 =	vld [tilespmem:s25+$0x9810];
	v41 =	vmul.f32 $4.392862690e-02, v35;
	v38 =	vmul.f32 v22, v38  }
0x7c: {  	v34 =	vadd.s32 $0xFFFFFF81, v34;
	v22 =	vld [tilespmem:s25+$0x9820];
	v39 =	vmul.f32 v37, v39;
	v40 =	vadd.f32 $-4.094755950e-01, v40  }
0x7d: {  	v34 =	vcvt.s32.f32 v34;
	v41 =	vadd.f32 $-4.094755950e-01, v41;
	v38 =	vadd.f32 $-2.794153690e+00, v38  }
0x7e: {  	v42 =	vmul.f32 $1.024000000e+03, v14;
	v39 =	vadd.f32 $1.610177520e+00, v39;
	v40 =	vmul.f32 v31, v40  }
0x7f: {  	v8 =	vadd.s32 $0xC00, v8;
	v43 =	vmul.f32 $1.024000000e+03, v23;
	v34 =	vadd.f32 v34, v38  }
0x80: {  	vm2 =	vge.f32 v1, $0.0e+00;
	v38 =	vmul.f32 $1.024000000e+03, v24;
	v42 =	vtrunc.f32 v42  }
0x81: {  	vm4 =	vle.f32 v1, $1.000000000e+00;
	v42 =	vcvt.f32.s32 v42;
	v34 =	vmul.f32 $6.931471820e-01, v34  }
0x82: {  	vm2 =	vmand vm2, vm4;
	v43 =	vtrunc.f32 v43;
	v44 =	vmul.f32 $1.024000000e+03, v22  }
0x83: {  	v38 =	vtrunc.f32 v38;
	vm4 =	vgt.s32 v42, $0x0;
	v34 =	vnsel vm2, $0x0, v34  }
0x84: {  	s17 =	sshrl.u32 s1, $0x4;
	v43 =	vcvt.f32.s32 v43;
	v44 =	vtrunc.f32 v44;
	v42 =	vnsel vm4, $0x0, v42;
	v8 =	vld.idx.msk [tilespmem:v8+s4+$0x0], $0xffff;
	[tilespmem:s0+$0x11830] =	vst v34  }
0x85: {  	s26 =	sshll.u32 s17, $0xA;
	v34 =	vcvt.f32.s32 v38;
	v38 =	vcvt.f32.s32 v44;
	v42 =	vmin.u32 v42, $0x3FF  }
0x86: {  	v41 =	vmul.f32 v35, v41;
	vm4 =	vgt.s32 v43, $0x0;
	v42 =	vor.u32 s26, v42  }
0x87: {  	v43 =	vnsel vm4, $0x0, v43;
	vm4 =	vgt.s32 v34, $0x0;
	vm5 =	vgt.s32 v38, $0x0  }
0x88: {  	v43 =	vmin.u32 v43, $0x3FF;
	v34 =	vnsel vm4, $0x0, v34;
	v38 =	vnsel vm5, $0x0, v38  }
0x89: {  	v43 =	vor.u32 s26, v43;
	v34 =	vmin.u32 v34, $0x3FF;
	v38 =	vmin.u32 v38, $0x3FF  }
0x8a: {  	v40 =	vadd.f32 $1.610177520e+00, v40;
	v34 =	vor.u32 s26, v34;
	v38 =	vor.u32 s26, v38  }
0x8b: {  	v16 =	vmul.f32 v16, v17;
	v17 =	vmul.f32 v37, v39;
	v39 =	vadd.f32 $1.610177520e+00, v41;
	v42 =	vld.idx.msk [tilespmem:v42+s19+$0x0], $0xffff  }
0x8c: {  	v18 =	vmul.f32 v18, v19;
	v36 =	vshra.s32 v36, $0x17;
	v19 =	vmul.f32 v31, v40  }
0x8d: {  	v20 =	vmul.f32 v20, v21;
	v17 =	vadd.f32 $-3.520218850e+00, v17;
	v21 =	vmul.f32 v35, v39  }
0x8e: {  	v32 =	vshra.s32 v32, $0x17;
	v30 =	vshra.s32 v30, $0x17;
	v19 =	vadd.f32 $-3.520218850e+00, v19;
	v39 =	vld.idx.msk [tilespmem:v43+s19+$0x0], $0xffff  }
0x8f: {  	v16 =	vadd.f32 v27, v16;
	v17 =	vmul.f32 v37, v17;
	v21 =	vadd.f32 $-3.520218850e+00, v21;
	s26 =	sshll.u32 s17, $0x5;
	v34 =	vld.idx.msk [tilespmem:v34+s19+$0x0], $0xffff  }
0x90: {  	v18 =	vadd.f32 v29, v18;
	v20 =	vadd.f32 v28, v20;
	v19 =	vmul.f32 v31, v19;
	s17 =	sor.u32 $0x1, s26;
	v27 =	vld.idx.msk [tilespmem:v38+s19+$0x0], $0xffff  }
0x91: {  	v17 =	vadd.f32 $5.069756510e+00, v17;
	v21 =	vmul.f32 v35, v21;
	v28 =	vadd.s32 s17, v42  }
0x92: {  	v29 =	vadd.s32 $0xFFFFFF81, v36;
	v32 =	vadd.s32 $0xFFFFFF81, v32;
	v19 =	vadd.f32 $5.069756510e+00, v19  }
0x93: {  	v30 =	vadd.s32 $0xFFFFFF81, v30;
	v17 =	vmul.f32 v37, v17;
	v21 =	vadd.f32 $5.069756510e+00, v21  }
0x94: {  	v29 =	vcvt.s32.f32 v29;
	v19 =	vmul.f32 v31, v19;
	v36 =	vadd.s32 s17, v39  }
0x95: {  	v17 =	vadd.f32 $-2.794153690e+00, v17;
	v21 =	vmul.f32 v35, v21;
	v31 =	vadd.s32 s17, v34  }
0x96: {  	v32 =	vcvt.s32.f32 v32;
	v19 =	vadd.f32 $-2.794153690e+00, v19;
	v35 =	vadd.s32 s17, v27;
	v28 =	vld.idx.msk [tilespmem:v28+s4+$0x0], $0xffff  }
0x97: {  	v6 =	vmul.f32 v16, v6;
	v16 =	vcvt.s32.f32 v30;
	v21 =	vadd.f32 $-2.794153690e+00, v21  }
0x98: {  	v7 =	vmul.f32 v18, v7;
	v9 =	vmul.f32 v20, v9;
	v17 =	vadd.f32 v29, v17  }
0x99: {  	v5 =	vmul.f32 v13, v5;
	v19 =	vadd.f32 v32, v19;
	v16 =	vadd.f32 v16, v21;
	v18 =	vld.idx.msk [tilespmem:v36+s4+$0x0], $0xffff  }
0x9a: {  	v6 =	vmul.f32 v25, v6;
	v7 =	vmul.f32 v26, v7;
	vm4 =	vge.f32 v23, $0.0e+00;
	v13 =	vld.idx.msk [tilespmem:v31+s4+$0x0], $0xffff  }
0x9b: {  	v5 =	vmul.f32 v10, v5;
	v9 =	vmul.f32 v33, v9;
	vm5 =	vle.f32 v23, $1.000000000e+00;
	v20 =	vld.idx.msk [tilespmem:v35+s4+$0x0], $0xffff  }
0x9c: {  	v10 =	vmul.f32 $6.931471820e-01, v17;
	v17 =	vmul.f32 $6.931471820e-01, v19;
	vm6 =	vle.f32 v28, v14  }
0x9d: {  	v11 =	vadd.f32 v6, v11;
	v16 =	vmul.f32 $6.931471820e-01, v16;
	v19 =	vsel vm6, $0x1, v0  }
0x9e: {  	v12 =	vadd.f32 v7, v12;
	v25 =	vadd.f32 v9, v15;
	v6 =	vadd.s32 v19, v42  }
0x9f: {  	v26 =	vadd.f32 v5, v8;
	vm6 =	vle.f32 v18, v23;
	vm7 =	vlt.s32 v6, $0x1D  }
0xa0: {  	v5 =	vsel vm6, $0x1, v0;
	vm6 =	vle.f32 v13, v24;
	v6 =	vnsel vm7, $0x1D, v6  }
0xa1: {  	v7 =	vsel vm6, $0x1, v0;
	vm6 =	vle.f32 v20, v22;
	v8 =	vadd.s32 s26, v6  }
0xa2: {  	v5 =	vadd.s32 v5, v39;
	v6 =	vsel vm6, $0x1, v0;
	v9 =	vadd.s32 $0x400, v8  }
0xa3: {  	v7 =	vadd.s32 v7, v34;
	v13 =	vadd.s32 $0x800, v8;
	v6 =	vadd.s32 v6, v27  }
0xa4: {  	vm6 =	vlt.s32 v5, $0x1D;
	v15 =	vadd.s32 $0x1000, v8;
	vm7 =	vlt.s32 v7, $0x1D  }
0xa5: {  	v18 =	vadd.s32 $0x1400, v8;
	v5 =	vnsel vm6, $0x1D, v5;
	vm6 =	vlt.s32 v6, $0x1D  }
0xa6: {  	v19 =	vadd.s32 $0x1401, v8;
	v7 =	vnsel vm7, $0x1D, v7;
	v6 =	vnsel vm6, $0x1D, v6  }
0xa7: {  	v20 =	vadd.s32 s26, v5;
	v7 =	vadd.s32 s26, v7;
	v6 =	vadd.s32 s26, v6;
	v9 =	vld.idx.msk [tilespmem:v9+s4+$0x0], $0xffff  }
0xa8: {  	v21 =	vadd.s32 $0x400, v20;
	v27 =	vadd.s32 $0x400, v7;
	v28 =	vadd.s32 $0x400, v6;
	v13 =	vld.idx.msk [tilespmem:v13+s4+$0x0], $0xffff  }
0xa9: {  	v29 =	vadd.s32 $0x800, v20;
	v30 =	vadd.s32 $0x1000, v20;
	v31 =	vadd.s32 $0x800, v7;
	v5 =	vld.idx.msk [tilespmem:v15+s4+$0x0], $0xffff  }
0xaa: {  	v32 =	vadd.s32 $0x800, v6;
	v33 =	vadd.s32 $0x1000, v6;
	v15 =	vadd.s32 $0x1000, v7;
	v34 =	vld.idx.msk [tilespmem:v18+s4+$0x0], $0xffff  }
0xab: {  	v35 =	vadd.s32 $0x1401, v20;
	v36 =	vadd.s32 $0x1400, v7;
	v18 =	vadd.s32 $0x1400, v20;
	v37 =	vld.idx.msk [tilespmem:v19+s4+$0x0], $0xffff  }
0xac: {  	v38 =	vadd.s32 $0x1400, v6;
	v39 =	vadd.s32 $0x1401, v6;
	v19 =	vadd.s32 $0x1401, v7  }
0xad: {  	v40 =	vadd.s32 $0xC00, v20;
	v41 =	vadd.s32 $0xC00, v7;
	v7 =	vsub.f32 v14, v9;
	v21 =	vld.idx.msk [tilespmem:v21+s4+$0x0], $0xffff  }
0xae: {  	vm8 =	vle.f32 v24, $1.000000000e+00;
	vm7 =	vge.f32 v24, $0.0e+00;
	v42 =	vadd.s32 $0xC00, v6;
	v9 =	vld.idx.msk [tilespmem:v27+s4+$0x0], $0xffff  }
0xaf: {  	vm9 =	vge.f32 v22, $0.0e+00;
	v43 =	vmul.f32 v5, v13;
	v44 =	vmul.f32 v13, v7;
	v20 =	vld.idx.msk [tilespmem:v28+s4+$0x0], $0xffff  }
0xb0: {  	vm6 =	vmand vm4, vm5;
	vm4 =	vmand vm7, vm8;
	vm5 =	vle.f32 v22, $1.000000000e+00;
	v13 =	vld.idx.msk [tilespmem:v29+s4+$0x0], $0xffff  }
0xb1: {  	v45 =	vmul.f32 v44, v44;
	v27 =	vadd.f32 v37, v34;
	v46 =	vadd.f32 v43, v43;
	v6 =	vld.idx.msk [tilespmem:v30+s4+$0x0], $0xffff  }
0xb2: {  	v10 =	vnsel vm0, $0x0, v10;
	vm5 =	vmand vm9, vm5;
	v30 =	vnsel vm3, $0x0, v17;
	v28 =	vld.idx.msk [tilespmem:v31+s4+$0x0], $0xffff  }
0xb3: {  	v17 =	vmul.f32 v43, v45;
	v27 =	vsub.f32 v27, v46;
	v7 =	vld.idx.msk [tilespmem:v15+s4+$0x0], $0xffff;
	v15 =	vsub.f32 v44, v45  }
0xb4: {  	v21 =	vsub.f32 v23, v21;
	v31 =	vsub.f32 v24, v9;
	v32 =	vld.idx.msk [tilespmem:v32+s4+$0x0], $0xffff;
	[tilespmem:s0+$0x11800] =	vst v10;
	v10 =	vnsel vm1, $0x0, v16  }
0xb5: {  	v20 =	vsub.f32 v22, v20;
	v9 =	vld.idx.msk [tilespmem:v33+s4+$0x0], $0xffff;
	v29 =	vmul.f32 v15, v34;
	v33 =	vmul.f32 v27, v15  }
0xb6: {  	v4 =	vsel vm0, v11, v4;
	v3 =	vsel vm3, v12, v3;
	v21 =	vmul.f32 v13, v21;
	v27 =	vld.idx.msk [tilespmem:v18+s4+$0x0], $0xffff  }
0xb7: {  	v16 =	vmul.f32 v6, v13;
	v35 =	vld.idx.msk [tilespmem:v35+s4+$0x0], $0xffff;
	v13 =	vadd.f32 v29, v17;
	v11 =	vadd.f32 v33, v43  }
0xb8: {  	v17 =	vmul.f32 v21, v21;
	v33 =	vsub.f32 $1.000000000e+00, v21;
	v29 =	vld.idx.msk [tilespmem:v36+s4+$0x0], $0xffff;
	v36 =	vmul.f32 v28, v31;
	[tilespmem:s0+$0x11810] =	vst v30  }
0xb9: {  	v47 =	vadd.f32 v16, v16;
	v18 =	vmul.f32 v7, v28;
	v48 =	vld.idx.msk [tilespmem:v19+s4+$0x0], $0xffff;
	(erf) = vrcp.f32 v11;
	[tilespmem:s0+$0x11820] =	vst v10  }
0xba: {  	v30 =	vsub.f32 v21, v17;
	v10 =	vmul.f32 v32, v20;
	v19 =	vmul.f32 v36, v36;
	v28 =	vld.idx.msk [tilespmem:v38+s4+$0x0], $0xffff  }
0xbb: {  	v31 =	vsub.f32 $1.000000000e+00, v44;
	v38 =	vadd.f32 v18, v18;
	v20 =	vmul.f32 v9, v32;
	v39 =	vld.idx.msk [tilespmem:v39+s4+$0x0], $0xffff;
	[tilespmem:s0+$0xD800] =	vst v4  }
0xbc: {  	v21 =	vmul.f32 v10, v10;
	v4 =	vmul.f32 v37, v45;
	v11 =	vld.idx.msk [tilespmem:v40+s4+$0x0], $0xffff;
	v32 =	vsub.f32 v36, v19  }
0xbd: {  	v37 =	vadd.f32 v20, v20;
	v40 =	vmul.f32 v46, v15;
	v12 =	vld.idx.msk [tilespmem:v41+s4+$0x0], $0xffff;
	v41 =	vmul.f32 v31, v31  }
0xbe: {  	v45 =	vmul.f32 v47, v30;
	v44 =	vadd.f32 v35, v27;
	v31 =	vsub.f32 v10, v21;
	v15 =	vld.idx.msk [tilespmem:v42+s4+$0x0], $0xffff  }
0xbf: {  	v42 =	vadd.f32 v48, v29;
	v40 =	vadd.f32 v40, v4;
	v34 =	vmul.f32 v41, v34;
	[tilespmem:s0+$0xD810] =	vst v3  }
0xc0: {  	v36 =	vsub.f32 $1.000000000e+00, v36;
	v41 =	vsub.f32 v44, v47;
	v44 =	vmul.f32 v38, v32;
	v4 =	vmovc v23;
	v3 =	vmovc v24  }
0xc1: {  	v24 =	vmul.f32 v43, v43;
	v23 =	vadd.f32 v39, v28;
	v34 =	vadd.f32 v40, v34  }
0xc2: {  	v38 =	vsub.f32 v42, v38;
	v40 =	vmul.f32 v41, v30;
	v41 =	vsub.f32 $1.000000000e+00, v10;
	v10 =	vpop (erf)  }
0xc3: {  	v23 =	vsub.f32 v23, v37;
	v24 =	vmul.f32 v34, v24;
	v34 =	vmul.f32 v10, v10  }
0xc4: {  	v38 =	vmul.f32 v38, v32;
	v37 =	vmul.f32 v37, v31;
	v40 =	vadd.f32 v40, v16  }
0xc5: {  	v23 =	vmul.f32 v23, v31;
	v34 =	vmul.f32 v34, v24;
	v24 =	vsel vm1, v25, v2;
	v2 =	vmovc v22  }
0xc6: {  	v25 =	vmul.f32 v35, v17;
	v35 =	vadd.f32 v38, v18;
	(erf) = vrcp.f32 v40;
	[tilespmem:s0+$0xD820] =	vst v24  }
0xc7: {  	v24 =	vmul.f32 v33, v33;
	v23 =	vadd.f32 v23, v20;
	v22 =	vand.u32 $0x7FFFFF, v34  }
0xc8: {  	v33 =	vmul.f32 v48, v19;
	v22 =	vor.u32 $0x3F800000, v22;
	(erf) = vrcp.f32 v35  }
0xc9: {  	v25 =	vadd.f32 v45, v25;
	v35 =	vmul.f32 $4.392862690e-02, v22;
	(erf) = vrcp.f32 v23  }
0xca: {  	v23 =	vadd.f32 v44, v33;
	v33 =	vmul.f32 v36, v36;
	v36 =	vmul.f32 v39, v21  }
0xcb: {  	v38 =	vmul.f32 v41, v41;
	v24 =	vmul.f32 v24, v27;
	v35 =	vadd.f32 $-4.094755950e-01, v35  }
0xcc: {  	v39 =	vmul.f32 v16, v16;
	v33 =	vmul.f32 v33, v29;
	v36 =	vadd.f32 v37, v36  }
.Ltmp0:
0xcd: {  	v40 =	vmul.f32 v38, v28;
	v24 =	vadd.f32 v25, v24;
	v35 =	vmul.f32 v22, v35;
	(pc) =	sbr.rel @p0 .LBB2_2-.Ltmp0, $4  }
0xce: {  	v38 =	vmul.f32 v20, v20;
	v37 =	vmul.f32 v18, v18;
	v23 =	vadd.f32 v23, v33  }
0xcf: {  	v24 =	vmul.f32 v24, v39;
	v36 =	vadd.f32 v36, v40;
	v35 =	vadd.f32 $1.610177520e+00, v35;
	v25 =	vpop (erf)  }
0xd0: {  	v23 =	vmul.f32 v23, v37;
	v37 =	vsel vm2, v26, v1;
	v1 =	vmovc v14;
	v33 =	vmul.f32 v25, v25  }
0xd1: {  	vm0 =	vmmov vm6;
	v14 =	vmul.f32 v36, v38;
	v35 =	vmul.f32 v22, v35;
	v26 =	vpop (erf);
	[tilespmem:s0+$0xD830] =	vst v37;
	s0 =	smov.u32 s25  }
0xd2: {  	v24 =	vmul.f32 v33, v24;
	v42 =	vmul.f32 v26, v26  }
0xd3: {  	vm2 =	vmmov vm4;
	vm1 =	vmmov vm5;
	v27 =	vmul.f32 v30, v27  }
0xd4: {  	v29 =	vmul.f32 v32, v29;
	v28 =	vmul.f32 v31, v28;
	v34 =	vshra.s32 v34, $0x17  }
0xd5: {  	v8 =	vadd.s32 $0xC00, v8;
	vm3 =	vge.f32 v1, $0.0e+00;
	v16 =	vmul.f32 v16, v17  }
0xd6: {  	v36 =	vpop (erf);
	vm4 =	vle.f32 v1, $1.000000000e+00;
	v18 =	vmul.f32 v18, v19;
	v20 =	vmul.f32 v20, v21  }
0xd7: {  	v5 =	vmul.f32 v13, v5;
	v37 =	vmul.f32 v36, v36;
	v30 =	vadd.f32 $-3.520218850e+00, v35  }
0xd8: {  	v34 =	vadd.s32 $0xFFFFFF81, v34;
	vm3 =	vmand vm3, vm4;
	v23 =	vmul.f32 v42, v23  }
0xd9: {  	v43 =	vand.u32 $0x7FFFFF, v24;
	v34 =	vcvt.s32.f32 v34;
	v14 =	vmul.f32 v37, v14  }
0xda: {  	v44 =	vor.u32 $0x3F800000, v43;
	v30 =	vmul.f32 v22, v30;
	v45 =	vand.u32 $0x7FFFFF, v23  }
0xdb: {  	v46 =	vmul.f32 $4.392862690e-02, v44;
	v33 =	vor.u32 $0x3F800000, v45;
	v37 =	vand.u32 $0x7FFFFF, v14  }
0xdc: {  	v30 =	vadd.f32 $5.069756510e+00, v30;
	v38 =	vmul.f32 $4.392862690e-02, v33;
	v37 =	vor.u32 $0x3F800000, v37  }
0xdd: {  	v24 =	vshra.s32 v24, $0x17;
	v31 =	vadd.f32 $-4.094755950e-01, v46;
	v47 =	vmul.f32 $4.392862690e-02, v37  }
0xde: {  	v16 =	vadd.f32 v27, v16;
	v22 =	vmul.f32 v22, v30;
	v30 =	vadd.f32 $-4.094755950e-01, v38  }
0xdf: {  	v18 =	vadd.f32 v29, v18;
	v31 =	vmul.f32 v44, v31;
	v35 =	vadd.f32 $-4.094755950e-01, v47  }
0xe0: {  	v20 =	vadd.f32 v28, v20;
	v5 =	vmul.f32 v10, v5;
	v30 =	vmul.f32 v33, v30  }
0xe1: {  	v24 =	vadd.s32 $0xFFFFFF81, v24;
	v31 =	vadd.f32 $1.610177520e+00, v31;
	v35 =	vmul.f32 v37, v35  }
0xe2: {  	v24 =	vcvt.s32.f32 v24;
	v6 =	vmul.f32 v16, v6;
	v30 =	vadd.f32 $1.610177520e+00, v30  }
0xe3: {  	v7 =	vmul.f32 v18, v7;
	v31 =	vmul.f32 v44, v31;
	v48 =	vadd.f32 $1.610177520e+00, v35  }
0xe4: {  	v23 =	vshra.s32 v23, $0x17;
	v9 =	vmul.f32 v20, v9;
	v30 =	vmul.f32 v33, v30  }
0xe5: {  	v23 =	vadd.s32 $0xFFFFFF81, v23;
	v17 =	vadd.f32 $-3.520218850e+00, v31;
	v31 =	vmul.f32 v37, v48  }
0xe6: {  	v14 =	vshra.s32 v14, $0x17;
	v23 =	vcvt.s32.f32 v23;
	v19 =	vadd.f32 $-3.520218850e+00, v30  }
0xe7: {  	v6 =	vmul.f32 v25, v6;
	v17 =	vmul.f32 v44, v17;
	v21 =	vadd.f32 $-3.520218850e+00, v31  }
0xe8: {  	v8 =	vld.idx.msk [tilespmem:v8+s4+$0x0], $0xffff;
	v14 =	vadd.s32 $0xFFFFFF81, v14;
	v7 =	vmul.f32 v26, v7;
	v19 =	vmul.f32 v33, v19  }
0xe9: {  	v9 =	vmul.f32 v36, v9;
	v17 =	vadd.f32 $5.069756510e+00, v17;
	v21 =	vmul.f32 v37, v21  }
0xea: {  	v14 =	vcvt.s32.f32 v14;
	v6 =	vadd.f32 v6, v11;
	v19 =	vadd.f32 $5.069756510e+00, v19  }
0xeb: {  	v7 =	vadd.f32 v7, v12;
	v17 =	vmul.f32 v44, v17;
	v21 =	vadd.f32 $5.069756510e+00, v21  }
0xec: {  	v9 =	vadd.f32 v9, v15;
	v22 =	vadd.f32 $-2.794153690e+00, v22;
	v19 =	vmul.f32 v33, v19  }
0xed: {  	v5 =	vadd.f32 v5, v8;
	v17 =	vadd.f32 $-2.794153690e+00, v17;
	v21 =	vmul.f32 v37, v21  }
0xee: {  	v4 =	vsel vm0, v6, v4;
	v22 =	vadd.f32 v34, v22;
	v19 =	vadd.f32 $-2.794153690e+00, v19  }
0xef: {  	v3 =	vsel vm2, v7, v3;
	[tilespmem:s0+$0xD800] =	vst v4;
	v17 =	vadd.f32 v24, v17;
	v16 =	vadd.f32 $-2.794153690e+00, v21  }
0xf0: {  	v2 =	vsel vm1, v9, v2;
	[tilespmem:s0+$0xD810] =	vst v3;
	v22 =	vmul.f32 $6.931471820e-01, v22;
	v18 =	vadd.f32 v23, v19  }
0xf1: {  	[tilespmem:s0+$0xD820] =	vst v2;
	v1 =	vsel vm3, v5, v1;
	v13 =	vmul.f32 $6.931471820e-01, v17;
	v14 =	vadd.f32 v14, v16  }
0xf2: {  	[tilespmem:s0+$0xD830] =	vst v1;
	v16 =	vnsel vm3, $0x0, v22;
	v17 =	vmul.f32 $6.931471820e-01, v18  }
0xf3: {  	[tilespmem:s0+$0x11830] =	vst v16;
	v13 =	vnsel vm0, $0x0, v13;
	v14 =	vmul.f32 $6.931471820e-01, v14  }
0xf4: {  	[tilespmem:s0+$0x11800] =	vst v13;
	v11 =	vnsel vm2, $0x0, v17  }
0xf5: {  	v10 =	vnsel vm1, $0x0, v14;
	[tilespmem:s0+$0x11810] =	vst v11  }
0xf6: {  	[tilespmem:s0+$0x11820] =	vst v10  }
0xf7: {  	[hbm4b:s7+s15] =	stream.strided.scatter [tilespmem:s22], [sflag:$0x3], $0x2000, s16, s15, $0x38;
	[tilespmem:$0x15800] =	vst v63  }
0xf8: {  	_ = 	snop  }
0xf9: {  	[hbm4b:s8+s15] =	stream.strided.scatter [tilespmem:s23], [sflag:$0x5], $0x2000, s16, s15, $0x38;
	[tilespmem:$0x15800] =	vst v63  }
0xfa: {  	_ =	swait.ge [sflag:s24], $0x2000  }
0xfb: {  	[sflag:s24] =	ssyncset.done $0x0  }
0xfc: {  	s17 =	simm.s32 $0x9800;
	s1 =	simm.s32 $0x0;
	[sflag:s24] =	ssyncadd.s32 $0xFFFFE000  }
0xfd: {  	[tilespmem:s17], [sflag:$0x1] =	stream.strided.gather [hbm4b:s9+s15], $0x2000, s16, s15, $0x38;
	[tilespmem:$0x15800] =	vst v63  }
0xfe: {  	s21 =	sand.u32 $0x1800, s1;
	s2 =	sand.u32 $0x400, s1;
	s17 =	simm.s32 $0x0  }
0xff: {  	s0 =	sor.u32 s2, s21;
	s25 =	sand.u32 $0x380, s17  }
0x100: {  	s26 =	sand.u32 $0x40, s1;
	s0 =	sor.u32 s25, s0  }
0x101: {  	s0 =	sor.u32 s26, s0  }
0x102: {  	v1 =	vld [tilespmem:s0+$0xB830];
	_ =	sdelay $0x2  }
0x103: {  	v4 =	vld [tilespmem:s0+$0xB800]  }
0x104: {  	v3 =	vld [tilespmem:s0+$0xB810]  }
0x105: {  	v5 =	vmul.f32 $1.024000000e+03, v1;
	_ =	sdelay $0x1  }
0x106: {  	v2 =	vld [tilespmem:s0+$0xB820];
	v5 =	vtrunc.f32 v5  }
0x107: {  	v6 =	vmul.f32 $1.024000000e+03, v4;
	v5 =	vcvt.f32.s32 v5  }
0x108: {  	v7 =	vmul.f32 $1.024000000e+03, v3  }
0x109: {  	v6 =	vtrunc.f32 v6;
	vm0 =	vgt.s32 v5, $0x0  }
0x10a: {  	v7 =	vtrunc.f32 v7;
	v6 =	vcvt.f32.s32 v6;
	v5 =	vnsel vm0, $0x0, v5  }
0x10b: {  	s21 =	simm.s32 $0x0;
	v8 =	vmul.f32 $1.024000000e+03, v2;
	v7 =	vcvt.f32.s32 v7;
	v5 =	vmin.u32 v5, $0x3FF  }
0x10c: {  	vm0 =	vgt.s32 v6, $0x0;
	v5 =	vor.u32 s21, v5  }
0x10d: {  	v8 =	vtrunc.f32 v8;
	v6 =	vnsel vm0, $0x0, v6;
	vm0 =	vgt.s32 v7, $0x0  }
0x10e: {  	v8 =	vcvt.f32.s32 v8;
	v7 =	vnsel vm0, $0x0, v7  }
0x10f: {  	v7 =	vmin.u32 v7, $0x3FF  }
0x110: {  	v6 =	vmin.u32 v6, $0x3FF;
	vm0 =	vgt.s32 v8, $0x0;
	v7 =	vor.u32 s21, v7  }
0x111: {  	v6 =	vor.u32 s21, v6;
	v8 =	vnsel vm0, $0x0, v8;
	v5 =	vld.idx.msk [tilespmem:v5+s19+$0x0], $0xffff  }
0x112: {  	v8 =	vmin.u32 v8, $0x3FF  }
0x113: {  	v8 =	vor.u32 s21, v8  }
0x114: {  	s25 =	simm.s32 $0x0  }
0x115: {  	s26 =	sor.u32 $0x1, s25;
	v7 =	vld.idx.msk [tilespmem:v7+s19+$0x0], $0xffff  }
0x116: {  	v6 =	vld.idx.msk [tilespmem:v6+s19+$0x0], $0xffff;
	v9 =	vadd.s32 s26, v5;
	_ =	sdelay $0x1  }
0x117: {  	v10 =	vld.idx.msk [tilespmem:v8+s19+$0x0], $0xffff;
	_ =	sdelay $0x1  }
0x118: {  	v11 =	vadd.s32 s26, v7  }
0x119: {  	v8 =	vadd.s32 s26, v6;
	v9 =	vld.idx.msk [tilespmem:v9+s4+$0x0], $0xffff;
	_ =	sdelay $0x1  }
0x11a: {  	v12 =	vadd.s32 s26, v10;
	_ =	sdelay $0x1  }
0x11b: {  	v11 =	vld.idx.msk [tilespmem:v11+s4+$0x0], $0xffff  }
0x11c: {  	v8 =	vld.idx.msk [tilespmem:v8+s4+$0x0], $0xffff;
	vm0 =	vle.f32 v9, v1  }
0x11d: {  	v9 =	vsel vm0, $0x1, v0  }
0x11e: {  	v12 =	vld.idx.msk [tilespmem:v12+s4+$0x0], $0xffff;
	v5 =	vadd.s32 v9, v5  }
0x11f: {  	vm1 =	vlt.s32 v5, $0x1D  }
0x120: {  	vm2 =	vle.f32 v11, v3;
	v5 =	vnsel vm1, $0x1D, v5  }
0x121: {  	v9 =	vsel vm2, $0x1, v0;
	vm1 =	vle.f32 v8, v4;
	v8 =	vadd.s32 s25, v5  }
0x122: {  	v7 =	vadd.s32 v9, v7;
	v5 =	vsel vm1, $0x1, v0;
	v11 =	vadd.s32 $0x400, v8  }
0x123: {  	vm1 =	vle.f32 v12, v2;
	v5 =	vadd.s32 v5, v6;
	v6 =	vadd.s32 $0x800, v8  }
0x124: {  	vm2 =	vlt.s32 v7, $0x1D;
	v12 =	vsel vm1, $0x1, v0;
	v9 =	vadd.s32 $0x1000, v8  }
0x125: {  	v13 =	vadd.s32 $0x1401, v8;
	v7 =	vnsel vm2, $0x1D, v7;
	v10 =	vadd.s32 v12, v10  }
0x126: {  	vm1 =	vlt.s32 v5, $0x1D;
	v12 =	vadd.s32 $0x1400, v8;
	v7 =	vadd.s32 s25, v7  }
0x127: {  	v5 =	vnsel vm1, $0x1D, v5;
	vm1 =	vlt.s32 v10, $0x1D;
	v16 =	vadd.s32 $0x400, v7;
	v11 =	vld.idx.msk [tilespmem:v11+s4+$0x0], $0xffff  }
0x128: {  	v25 =	vadd.s32 $0x1400, v7;
	v14 =	vadd.s32 s25, v5;
	v5 =	vnsel vm1, $0x1D, v10;
	v6 =	vld.idx.msk [tilespmem:v6+s4+$0x0], $0xffff  }
0x129: {  	v26 =	vadd.s32 $0x1401, v7;
	v15 =	vadd.s32 s25, v5;
	v5 =	vld.idx.msk [tilespmem:v9+s4+$0x0], $0xffff  }
0x12a: {  	v10 =	vadd.s32 $0x400, v14;
	v13 =	vld.idx.msk [tilespmem:v13+s4+$0x0], $0xffff  }
0x12b: {  	v17 =	vadd.s32 $0x800, v14;
	v12 =	vld.idx.msk [tilespmem:v12+s4+$0x0], $0xffff  }
0x12c: {  	v9 =	vadd.s32 $0x400, v15;
	v16 =	vld.idx.msk [tilespmem:v16+s4+$0x0], $0xffff  }
0x12d: {  	v28 =	vadd.s32 $0x1400, v15;
	v29 =	vld.idx.msk [tilespmem:v25+s4+$0x0], $0xffff  }
0x12e: {  	v31 =	vadd.s32 $0x1401, v15;
	v26 =	vld.idx.msk [tilespmem:v26+s4+$0x0], $0xffff;
	v11 =	vsub.f32 v1, v11  }
0x12f: {  	v18 =	vadd.s32 $0x1000, v14;
	v10 =	vld.idx.msk [tilespmem:v10+s4+$0x0], $0xffff  }
0x130: {  	v19 =	vadd.s32 $0x800, v7;
	v17 =	vld.idx.msk [tilespmem:v17+s4+$0x0], $0xffff;
	v49 =	vmul.f32 v5, v6;
	v11 =	vmul.f32 v6, v11  }
0x131: {  	v20 =	vadd.s32 $0x1000, v7;
	v50 =	vadd.s32 $0xC00, v7;
	v21 =	vadd.s32 $0x800, v15;
	v27 =	vld.idx.msk [tilespmem:v9+s4+$0x0], $0xffff  }
0x132: {  	v28 =	vld.idx.msk [tilespmem:v28+s4+$0x0], $0xffff;
	v7 =	vadd.f32 v13, v12;
	v52 =	vadd.f32 v49, v49;
	v51 =	vmul.f32 v11, v11  }
0x133: {  	vm3 =	vle.f32 v3, $1.000000000e+00;
	vm5 =	vge.f32 v2, $0.0e+00;
	v22 =	vadd.s32 $0x1000, v15;
	v40 =	vld.idx.msk [tilespmem:v31+s4+$0x0], $0xffff  }
0x134: {  	v23 =	vadd.s32 $0x1400, v14;
	v6 =	vld.idx.msk [tilespmem:v18+s4+$0x0], $0xffff;
	v9 =	vsub.f32 v7, v52;
	v53 =	vsub.f32 v11, v51  }
0x135: {  	vm0 =	vge.f32 v4, $0.0e+00;
	vm2 =	vge.f32 v3, $0.0e+00;
	v24 =	vadd.s32 $0x1401, v14;
	v18 =	vld.idx.msk [tilespmem:v19+s4+$0x0], $0xffff  }
0x136: {  	vm4 =	vmand vm2, vm3;
	v7 =	vld.idx.msk [tilespmem:v20+s4+$0x0], $0xffff;
	v10 =	vsub.f32 v4, v10;
	v19 =	vmul.f32 v9, v53  }
0x137: {  	vm1 =	vle.f32 v4, $1.000000000e+00;
	v42 =	vadd.f32 v26, v29;
	v20 =	vld.idx.msk [tilespmem:v21+s4+$0x0], $0xffff;
	v21 =	vsub.f32 v3, v16  }
0x138: {  	v57 =	vadd.f32 v40, v28;
	v10 =	vmul.f32 v17, v10;
	v9 =	vld.idx.msk [tilespmem:v22+s4+$0x0], $0xffff;
	v19 =	vadd.f32 v19, v49  }
0x139: {  	v13 =	vmul.f32 v13, v51;
	v16 =	vmul.f32 v6, v17;
	v22 =	vsub.f32 v2, v27;
	v27 =	vld.idx.msk [tilespmem:v23+s4+$0x0], $0xffff  }
0x13a: {  	v11 =	vsub.f32 $1.000000000e+00, v11;
	v39 =	vmul.f32 v18, v21;
	v23 =	vld.idx.msk [tilespmem:v24+s4+$0x0], $0xffff;
	(erf) = vrcp.f32 v19  }
0x13b: {  	v17 =	vmul.f32 v10, v10;
	v24 =	vsub.f32 $1.000000000e+00, v10;
	v36 =	vmul.f32 v52, v53  }
0x13c: {  	v11 =	vmul.f32 v11, v11;
	v37 =	vmul.f32 v53, v12;
	v25 =	vadd.f32 v16, v16  }
0x13d: {  	v18 =	vmul.f32 v7, v18;
	v56 =	vsub.f32 $1.000000000e+00, v39;
	v30 =	vsub.f32 v10, v17  }
0x13e: {  	v22 =	vmul.f32 v20, v22;
	v13 =	vadd.f32 v36, v13;
	v11 =	vmul.f32 v11, v12  }
0x13f: {  	v10 =	vadd.f32 v18, v18;
	v19 =	vmul.f32 v39, v39;
	v41 =	vadd.f32 v23, v27  }
0x140: {  	v21 =	vmul.f32 v22, v22;
	v11 =	vadd.f32 v13, v11;
	v20 =	vmul.f32 v9, v20  }
0x141: {  	v12 =	vmul.f32 v25, v30;
	v32 =	vsub.f32 v39, v19;
	v25 =	vsub.f32 v41, v25  }
0x142: {  	v33 =	vmul.f32 v49, v49;
	v58 =	vsub.f32 v42, v10;
	v55 =	vadd.f32 v20, v20  }
0x143: {  	v31 =	vsub.f32 v22, v21;
	v13 =	vmul.f32 v10, v32;
	v25 =	vmul.f32 v25, v30;
	v10 =	vpop (erf)  }
0x144: {  	v11 =	vmul.f32 v11, v33;
	v39 =	vsub.f32 v57, v55;
	v59 =	vmul.f32 v10, v10  }
0x145: {  	v14 =	vadd.s32 $0xC00, v14;
	v24 =	vmul.f32 v24, v24;
	v25 =	vadd.f32 v25, v16  }
0x146: {  	v43 =	vsub.f32 $1.000000000e+00, v22;
	v22 =	vmul.f32 v39, v31;
	v34 =	vmul.f32 v59, v11  }
0x147: {  	vm0 =	vmand vm0, vm1;
	v41 =	vmul.f32 v58, v32;
	(erf) = vrcp.f32 v25  }
0x148: {  	v25 =	vadd.f32 v22, v20;
	v11 =	vmul.f32 v23, v17;
	v22 =	vand.u32 $0x7FFFFF, v34  }
0x149: {  	v26 =	vmul.f32 v26, v19;
	v23 =	vadd.f32 v41, v18;
	v22 =	vor.u32 $0x3F800000, v22  }
0x14a: {  	v60 =	vmul.f32 v55, v31;
	v11 =	vadd.f32 v12, v11;
	v12 =	vmul.f32 $4.392862690e-02, v22  }
0x14b: {  	v13 =	vadd.f32 v13, v26;
	v26 =	vmul.f32 v43, v43;
	(erf) = vrcp.f32 v23  }
0x14c: {  	(erf) = vrcp.f32 v25;
	v25 =	vmul.f32 v40, v21;
	v12 =	vadd.f32 $-4.094755950e-01, v12  }
0x14d: {  	v15 =	vadd.s32 $0xC00, v15;
	v24 =	vmul.f32 v24, v27;
	v23 =	vmul.f32 v56, v56  }
0x14e: {  	v26 =	vmul.f32 v26, v28;
	v25 =	vadd.f32 v60, v25;
	v12 =	vmul.f32 v22, v12  }
0x14f: {  	vm1 =	vle.f32 v2, $1.000000000e+00;
	v23 =	vmul.f32 v23, v29;
	v24 =	vadd.f32 v11, v24  }
0x150: {  	v61 =	vmul.f32 v16, v16;
	v11 =	vld.idx.msk [tilespmem:v14+s4+$0x0], $0xffff;
	v14 =	vadd.f32 v25, v26;
	v26 =	vadd.f32 $1.610177520e+00, v12  }
0x151: {  	v54 =	vmul.f32 v49, v51;
	v62 =	vmul.f32 v18, v18;
	v23 =	vadd.f32 v13, v23  }
0x152: {  	vm5 =	vmand vm5, vm1;
	v63 =	vmul.f32 v20, v20;
	v24 =	vmul.f32 v24, v61;
	v25 =	vpop (erf)  }
0x153: {  	vm0 =	vmmov vm0;
	v15 =	vld.idx.msk [tilespmem:v15+s4+$0x0], $0xffff;
	v23 =	vmul.f32 v23, v62;
	v33 =	vmul.f32 v25, v25  }
0x154: {  	s2 =	simm.s32 $0x0;
	s21 =	simm.s32 $0x0;
	v13 =	vadd.f32 v37, v54;
	v14 =	vmul.f32 v14, v63;
	v12 =	vld.idx.msk [tilespmem:v50+s4+$0x0], $0xffff;
	v35 =	vmul.f32 v22, v26;
	v26 =	vpop (erf)  }
.LBB2_4:
0x155: {  	v36 =	vmul.f32 v33, v24  }
0x156: {  	s2 =	sadd.s32 $0x4, s2;
	v24 =	vmul.f32 v26, v26;
	s1 =	sadd.s32 $0x200, s1;
	s21 =	sadd.s32 $0x40, s21;
	v33 =	vpop (erf);
	vm3 =	vmmov vm4;
	vm1 =	vmmov vm5  }
0x157: {  	v27 =	vmul.f32 v30, v27;
	s17 =	sand.u32 $0x1800, s21;
	s25 =	sand.u32 $0x400, s1;
	s26 =	sshll.u32 s2, $0x3;
	v30 =	vmul.f32 v33, v33;
	v35 =	vadd.f32 $-3.520218850e+00, v35  }
0x158: {  	v29 =	vmul.f32 v32, v29;
	p0 =	slt.u32 s2, $0x1FC;
	s17 =	sor.u32 s25, s17;
	s25 =	sand.u32 $0x380, s26;
	v37 =	vand.u32 $0x7FFFFF, v36;
	v32 =	vmul.f32 v24, v23  }
0x159: {  	s26 =	sand.u32 $0x40, s21;
	s17 =	sor.u32 s25, s17;
	v37 =	vor.u32 $0x3F800000, v37;
	v30 =	vmul.f32 v30, v14;
	v23 =	vmul.f32 v22, v35  }
0x15a: {  	v28 =	vmul.f32 v31, v28;
	s25 =	sor.u32 s26, s17;
	v24 =	vmul.f32 $4.392862690e-02, v37;
	v35 =	vand.u32 $0x7FFFFF, v32  }
0x15b: {  	v14 =	vld [tilespmem:s25+$0xB830];
	v31 =	vor.u32 $0x3F800000, v35;
	v35 =	vand.u32 $0x7FFFFF, v30;
	v38 =	vadd.f32 $5.069756510e+00, v23  }
0x15c: {  	v23 =	vld [tilespmem:s25+$0xB800];
	v39 =	vadd.f32 $-4.094755950e-01, v24;
	v40 =	vmul.f32 $4.392862690e-02, v31;
	v35 =	vor.u32 $0x3F800000, v35  }
0x15d: {  	v34 =	vshra.s32 v34, $0x17;
	v24 =	vld [tilespmem:s25+$0xB810];
	v41 =	vmul.f32 $4.392862690e-02, v35;
	v38 =	vmul.f32 v22, v38  }
0x15e: {  	v34 =	vadd.s32 $0xFFFFFF81, v34;
	v22 =	vld [tilespmem:s25+$0xB820];
	v39 =	vmul.f32 v37, v39;
	v40 =	vadd.f32 $-4.094755950e-01, v40  }
0x15f: {  	v34 =	vcvt.s32.f32 v34;
	v41 =	vadd.f32 $-4.094755950e-01, v41;
	v38 =	vadd.f32 $-2.794153690e+00, v38  }
0x160: {  	v42 =	vmul.f32 $1.024000000e+03, v14;
	v39 =	vadd.f32 $1.610177520e+00, v39;
	v40 =	vmul.f32 v31, v40  }
0x161: {  	v8 =	vadd.s32 $0xC00, v8;
	v43 =	vmul.f32 $1.024000000e+03, v23;
	v34 =	vadd.f32 v34, v38  }
0x162: {  	vm2 =	vge.f32 v1, $0.0e+00;
	v38 =	vmul.f32 $1.024000000e+03, v24;
	v42 =	vtrunc.f32 v42  }
0x163: {  	vm4 =	vle.f32 v1, $1.000000000e+00;
	v42 =	vcvt.f32.s32 v42;
	v34 =	vmul.f32 $6.931471820e-01, v34  }
0x164: {  	vm2 =	vmand vm2, vm4;
	v43 =	vtrunc.f32 v43;
	v44 =	vmul.f32 $1.024000000e+03, v22  }
0x165: {  	v38 =	vtrunc.f32 v38;
	vm4 =	vgt.s32 v42, $0x0;
	v34 =	vnsel vm2, $0x0, v34  }
0x166: {  	s17 =	sshrl.u32 s2, $0x4;
	v43 =	vcvt.f32.s32 v43;
	v44 =	vtrunc.f32 v44;
	v42 =	vnsel vm4, $0x0, v42;
	v8 =	vld.idx.msk [tilespmem:v8+s4+$0x0], $0xffff;
	[tilespmem:s0+$0x13830] =	vst v34  }
0x167: {  	s26 =	sshll.u32 s17, $0xA;
	v34 =	vcvt.f32.s32 v38;
	v38 =	vcvt.f32.s32 v44;
	v42 =	vmin.u32 v42, $0x3FF  }
0x168: {  	v41 =	vmul.f32 v35, v41;
	vm4 =	vgt.s32 v43, $0x0;
	v42 =	vor.u32 s26, v42  }
0x169: {  	v43 =	vnsel vm4, $0x0, v43;
	vm4 =	vgt.s32 v34, $0x0;
	vm5 =	vgt.s32 v38, $0x0  }
0x16a: {  	v43 =	vmin.u32 v43, $0x3FF;
	v34 =	vnsel vm4, $0x0, v34;
	v38 =	vnsel vm5, $0x0, v38  }
0x16b: {  	v43 =	vor.u32 s26, v43;
	v34 =	vmin.u32 v34, $0x3FF;
	v38 =	vmin.u32 v38, $0x3FF  }
0x16c: {  	v40 =	vadd.f32 $1.610177520e+00, v40;
	v34 =	vor.u32 s26, v34;
	v38 =	vor.u32 s26, v38  }
0x16d: {  	v16 =	vmul.f32 v16, v17;
	v17 =	vmul.f32 v37, v39;
	v39 =	vadd.f32 $1.610177520e+00, v41;
	v42 =	vld.idx.msk [tilespmem:v42+s19+$0x0], $0xffff  }
0x16e: {  	v18 =	vmul.f32 v18, v19;
	v36 =	vshra.s32 v36, $0x17;
	v19 =	vmul.f32 v31, v40  }
0x16f: {  	v20 =	vmul.f32 v20, v21;
	v17 =	vadd.f32 $-3.520218850e+00, v17;
	v21 =	vmul.f32 v35, v39  }
0x170: {  	v32 =	vshra.s32 v32, $0x17;
	v30 =	vshra.s32 v30, $0x17;
	v19 =	vadd.f32 $-3.520218850e+00, v19;
	v39 =	vld.idx.msk [tilespmem:v43+s19+$0x0], $0xffff  }
0x171: {  	v16 =	vadd.f32 v27, v16;
	v17 =	vmul.f32 v37, v17;
	v21 =	vadd.f32 $-3.520218850e+00, v21;
	s26 =	sshll.u32 s17, $0x5;
	v34 =	vld.idx.msk [tilespmem:v34+s19+$0x0], $0xffff  }
0x172: {  	v18 =	vadd.f32 v29, v18;
	v20 =	vadd.f32 v28, v20;
	v19 =	vmul.f32 v31, v19;
	s17 =	sor.u32 $0x1, s26;
	v27 =	vld.idx.msk [tilespmem:v38+s19+$0x0], $0xffff  }
0x173: {  	v17 =	vadd.f32 $5.069756510e+00, v17;
	v21 =	vmul.f32 v35, v21;
	v28 =	vadd.s32 s17, v42  }
0x174: {  	v29 =	vadd.s32 $0xFFFFFF81, v36;
	v32 =	vadd.s32 $0xFFFFFF81, v32;
	v19 =	vadd.f32 $5.069756510e+00, v19  }
0x175: {  	v30 =	vadd.s32 $0xFFFFFF81, v30;
	v17 =	vmul.f32 v37, v17;
	v21 =	vadd.f32 $5.069756510e+00, v21  }
0x176: {  	v29 =	vcvt.s32.f32 v29;
	v19 =	vmul.f32 v31, v19;
	v36 =	vadd.s32 s17, v39  }
0x177: {  	v17 =	vadd.f32 $-2.794153690e+00, v17;
	v21 =	vmul.f32 v35, v21;
	v31 =	vadd.s32 s17, v34  }
0x178: {  	v32 =	vcvt.s32.f32 v32;
	v19 =	vadd.f32 $-2.794153690e+00, v19;
	v35 =	vadd.s32 s17, v27;
	v28 =	vld.idx.msk [tilespmem:v28+s4+$0x0], $0xffff  }
0x179: {  	v6 =	vmul.f32 v16, v6;
	v16 =	vcvt.s32.f32 v30;
	v21 =	vadd.f32 $-2.794153690e+00, v21  }
0x17a: {  	v7 =	vmul.f32 v18, v7;
	v9 =	vmul.f32 v20, v9;
	v17 =	vadd.f32 v29, v17  }
0x17b: {  	v5 =	vmul.f32 v13, v5;
	v19 =	vadd.f32 v32, v19;
	v16 =	vadd.f32 v16, v21;
	v18 =	vld.idx.msk [tilespmem:v36+s4+$0x0], $0xffff  }
0x17c: {  	v6 =	vmul.f32 v25, v6;
	v7 =	vmul.f32 v26, v7;
	vm4 =	vge.f32 v23, $0.0e+00;
	v13 =	vld.idx.msk [tilespmem:v31+s4+$0x0], $0xffff  }
0x17d: {  	v5 =	vmul.f32 v10, v5;
	v9 =	vmul.f32 v33, v9;
	vm5 =	vle.f32 v23, $1.000000000e+00;
	v20 =	vld.idx.msk [tilespmem:v35+s4+$0x0], $0xffff  }
0x17e: {  	v10 =	vmul.f32 $6.931471820e-01, v17;
	v17 =	vmul.f32 $6.931471820e-01, v19;
	vm6 =	vle.f32 v28, v14  }
0x17f: {  	v11 =	vadd.f32 v6, v11;
	v16 =	vmul.f32 $6.931471820e-01, v16;
	v19 =	vsel vm6, $0x1, v0  }
0x180: {  	v12 =	vadd.f32 v7, v12;
	v25 =	vadd.f32 v9, v15;
	v6 =	vadd.s32 v19, v42  }
0x181: {  	v26 =	vadd.f32 v5, v8;
	vm6 =	vle.f32 v18, v23;
	vm7 =	vlt.s32 v6, $0x1D  }
0x182: {  	v5 =	vsel vm6, $0x1, v0;
	vm6 =	vle.f32 v13, v24;
	v6 =	vnsel vm7, $0x1D, v6  }
0x183: {  	v7 =	vsel vm6, $0x1, v0;
	vm6 =	vle.f32 v20, v22;
	v8 =	vadd.s32 s26, v6  }
0x184: {  	v5 =	vadd.s32 v5, v39;
	v6 =	vsel vm6, $0x1, v0;
	v9 =	vadd.s32 $0x400, v8  }
0x185: {  	v7 =	vadd.s32 v7, v34;
	v13 =	vadd.s32 $0x800, v8;
	v6 =	vadd.s32 v6, v27  }
0x186: {  	vm6 =	vlt.s32 v5, $0x1D;
	v15 =	vadd.s32 $0x1000, v8;
	vm7 =	vlt.s32 v7, $0x1D  }
0x187: {  	v18 =	vadd.s32 $0x1400, v8;
	v5 =	vnsel vm6, $0x1D, v5;
	vm6 =	vlt.s32 v6, $0x1D  }
0x188: {  	v19 =	vadd.s32 $0x1401, v8;
	v7 =	vnsel vm7, $0x1D, v7;
	v6 =	vnsel vm6, $0x1D, v6  }
0x189: {  	v20 =	vadd.s32 s26, v5;
	v7 =	vadd.s32 s26, v7;
	v6 =	vadd.s32 s26, v6;
	v9 =	vld.idx.msk [tilespmem:v9+s4+$0x0], $0xffff  }
0x18a: {  	v21 =	vadd.s32 $0x400, v20;
	v27 =	vadd.s32 $0x400, v7;
	v28 =	vadd.s32 $0x400, v6;
	v13 =	vld.idx.msk [tilespmem:v13+s4+$0x0], $0xffff  }
0x18b: {  	v29 =	vadd.s32 $0x800, v20;
	v30 =	vadd.s32 $0x1000, v20;
	v31 =	vadd.s32 $0x800, v7;
	v5 =	vld.idx.msk [tilespmem:v15+s4+$0x0], $0xffff  }
0x18c: {  	v32 =	vadd.s32 $0x800, v6;
	v33 =	vadd.s32 $0x1000, v6;
	v15 =	vadd.s32 $0x1000, v7;
	v34 =	vld.idx.msk [tilespmem:v18+s4+$0x0], $0xffff  }
0x18d: {  	v35 =	vadd.s32 $0x1401, v20;
	v36 =	vadd.s32 $0x1400, v7;
	v18 =	vadd.s32 $0x1400, v20;
	v37 =	vld.idx.msk [tilespmem:v19+s4+$0x0], $0xffff  }
0x18e: {  	v38 =	vadd.s32 $0x1400, v6;
	v39 =	vadd.s32 $0x1401, v6;
	v19 =	vadd.s32 $0x1401, v7  }
0x18f: {  	v40 =	vadd.s32 $0xC00, v20;
	v41 =	vadd.s32 $0xC00, v7;
	v7 =	vsub.f32 v14, v9;
	v21 =	vld.idx.msk [tilespmem:v21+s4+$0x0], $0xffff  }
0x190: {  	vm8 =	vle.f32 v24, $1.000000000e+00;
	vm7 =	vge.f32 v24, $0.0e+00;
	v42 =	vadd.s32 $0xC00, v6;
	v9 =	vld.idx.msk [tilespmem:v27+s4+$0x0], $0xffff  }
0x191: {  	vm9 =	vge.f32 v22, $0.0e+00;
	v43 =	vmul.f32 v5, v13;
	v44 =	vmul.f32 v13, v7;
	v20 =	vld.idx.msk [tilespmem:v28+s4+$0x0], $0xffff  }
0x192: {  	vm6 =	vmand vm4, vm5;
	vm4 =	vmand vm7, vm8;
	vm5 =	vle.f32 v22, $1.000000000e+00;
	v13 =	vld.idx.msk [tilespmem:v29+s4+$0x0], $0xffff  }
0x193: {  	v45 =	vmul.f32 v44, v44;
	v27 =	vadd.f32 v37, v34;
	v46 =	vadd.f32 v43, v43;
	v6 =	vld.idx.msk [tilespmem:v30+s4+$0x0], $0xffff  }
0x194: {  	v10 =	vnsel vm0, $0x0, v10;
	vm5 =	vmand vm9, vm5;
	v30 =	vnsel vm3, $0x0, v17;
	v28 =	vld.idx.msk [tilespmem:v31+s4+$0x0], $0xffff  }
0x195: {  	v17 =	vmul.f32 v43, v45;
	v27 =	vsub.f32 v27, v46;
	v7 =	vld.idx.msk [tilespmem:v15+s4+$0x0], $0xffff;
	v15 =	vsub.f32 v44, v45  }
0x196: {  	v21 =	vsub.f32 v23, v21;
	v31 =	vsub.f32 v24, v9;
	v32 =	vld.idx.msk [tilespmem:v32+s4+$0x0], $0xffff;
	[tilespmem:s0+$0x13800] =	vst v10;
	v10 =	vnsel vm1, $0x0, v16  }
0x197: {  	v20 =	vsub.f32 v22, v20;
	v9 =	vld.idx.msk [tilespmem:v33+s4+$0x0], $0xffff;
	v29 =	vmul.f32 v15, v34;
	v33 =	vmul.f32 v27, v15  }
0x198: {  	v4 =	vsel vm0, v11, v4;
	v3 =	vsel vm3, v12, v3;
	v21 =	vmul.f32 v13, v21;
	v27 =	vld.idx.msk [tilespmem:v18+s4+$0x0], $0xffff  }
0x199: {  	v16 =	vmul.f32 v6, v13;
	v35 =	vld.idx.msk [tilespmem:v35+s4+$0x0], $0xffff;
	v13 =	vadd.f32 v29, v17;
	v11 =	vadd.f32 v33, v43  }
0x19a: {  	v17 =	vmul.f32 v21, v21;
	v33 =	vsub.f32 $1.000000000e+00, v21;
	v29 =	vld.idx.msk [tilespmem:v36+s4+$0x0], $0xffff;
	v36 =	vmul.f32 v28, v31;
	[tilespmem:s0+$0x13810] =	vst v30  }
0x19b: {  	v47 =	vadd.f32 v16, v16;
	v18 =	vmul.f32 v7, v28;
	v48 =	vld.idx.msk [tilespmem:v19+s4+$0x0], $0xffff;
	(erf) = vrcp.f32 v11;
	[tilespmem:s0+$0x13820] =	vst v10  }
0x19c: {  	v30 =	vsub.f32 v21, v17;
	v10 =	vmul.f32 v32, v20;
	v19 =	vmul.f32 v36, v36;
	v28 =	vld.idx.msk [tilespmem:v38+s4+$0x0], $0xffff  }
0x19d: {  	v31 =	vsub.f32 $1.000000000e+00, v44;
	v38 =	vadd.f32 v18, v18;
	v20 =	vmul.f32 v9, v32;
	v39 =	vld.idx.msk [tilespmem:v39+s4+$0x0], $0xffff;
	[tilespmem:s0+$0xF800] =	vst v4  }
0x19e: {  	v21 =	vmul.f32 v10, v10;
	v4 =	vmul.f32 v37, v45;
	v11 =	vld.idx.msk [tilespmem:v40+s4+$0x0], $0xffff;
	v32 =	vsub.f32 v36, v19  }
0x19f: {  	v37 =	vadd.f32 v20, v20;
	v40 =	vmul.f32 v46, v15;
	v12 =	vld.idx.msk [tilespmem:v41+s4+$0x0], $0xffff;
	v41 =	vmul.f32 v31, v31  }
0x1a0: {  	v45 =	vmul.f32 v47, v30;
	v44 =	vadd.f32 v35, v27;
	v31 =	vsub.f32 v10, v21;
	v15 =	vld.idx.msk [tilespmem:v42+s4+$0x0], $0xffff  }
0x1a1: {  	v42 =	vadd.f32 v48, v29;
	v40 =	vadd.f32 v40, v4;
	v34 =	vmul.f32 v41, v34;
	[tilespmem:s0+$0xF810] =	vst v3  }
0x1a2: {  	v36 =	vsub.f32 $1.000000000e+00, v36;
	v41 =	vsub.f32 v44, v47;
	v44 =	vmul.f32 v38, v32;
	v4 =	vmovc v23;
	v3 =	vmovc v24  }
0x1a3: {  	v24 =	vmul.f32 v43, v43;
	v23 =	vadd.f32 v39, v28;
	v34 =	vadd.f32 v40, v34  }
0x1a4: {  	v38 =	vsub.f32 v42, v38;
	v40 =	vmul.f32 v41, v30;
	v41 =	vsub.f32 $1.000000000e+00, v10;
	v10 =	vpop (erf)  }
0x1a5: {  	v23 =	vsub.f32 v23, v37;
	v24 =	vmul.f32 v34, v24;
	v34 =	vmul.f32 v10, v10  }
0x1a6: {  	v38 =	vmul.f32 v38, v32;
	v37 =	vmul.f32 v37, v31;
	v40 =	vadd.f32 v40, v16  }
0x1a7: {  	v23 =	vmul.f32 v23, v31;
	v34 =	vmul.f32 v34, v24;
	v24 =	vsel vm1, v25, v2;
	v2 =	vmovc v22  }
0x1a8: {  	v25 =	vmul.f32 v35, v17;
	v35 =	vadd.f32 v38, v18;
	(erf) = vrcp.f32 v40;
	[tilespmem:s0+$0xF820] =	vst v24  }
0x1a9: {  	v24 =	vmul.f32 v33, v33;
	v23 =	vadd.f32 v23, v20;
	v22 =	vand.u32 $0x7FFFFF, v34  }
0x1aa: {  	v33 =	vmul.f32 v48, v19;
	v22 =	vor.u32 $0x3F800000, v22;
	(erf) = vrcp.f32 v35  }
0x1ab: {  	v25 =	vadd.f32 v45, v25;
	v35 =	vmul.f32 $4.392862690e-02, v22;
	(erf) = vrcp.f32 v23  }
0x1ac: {  	v23 =	vadd.f32 v44, v33;
	v33 =	vmul.f32 v36, v36;
	v36 =	vmul.f32 v39, v21  }
0x1ad: {  	v38 =	vmul.f32 v41, v41;
	v24 =	vmul.f32 v24, v27;
	v35 =	vadd.f32 $-4.094755950e-01, v35  }
0x1ae: {  	v39 =	vmul.f32 v16, v16;
	v33 =	vmul.f32 v33, v29;
	v36 =	vadd.f32 v37, v36  }
.Ltmp1:
0x1af: {  	v40 =	vmul.f32 v38, v28;
	v24 =	vadd.f32 v25, v24;
	v35 =	vmul.f32 v22, v35;
	(pc) =	sbr.rel @p0 .LBB2_4-.Ltmp1, $4  }
0x1b0: {  	v38 =	vmul.f32 v20, v20;
	v37 =	vmul.f32 v18, v18;
	v23 =	vadd.f32 v23, v33  }
0x1b1: {  	v24 =	vmul.f32 v24, v39;
	v36 =	vadd.f32 v36, v40;
	v35 =	vadd.f32 $1.610177520e+00, v35;
	v25 =	vpop (erf)  }
0x1b2: {  	v23 =	vmul.f32 v23, v37;
	v37 =	vsel vm2, v26, v1;
	v1 =	vmovc v14;
	v33 =	vmul.f32 v25, v25  }
0x1b3: {  	vm0 =	vmmov vm6;
	v14 =	vmul.f32 v36, v38;
	v35 =	vmul.f32 v22, v35;
	v26 =	vpop (erf);
	[tilespmem:s0+$0xF830] =	vst v37;
	s0 =	smov.u32 s25  }
0x1b4: {  	v24 =	vmul.f32 v33, v24;
	v42 =	vmul.f32 v26, v26  }
0x1b5: {  	vm2 =	vmmov vm4;
	vm1 =	vmmov vm5;
	v27 =	vmul.f32 v30, v27  }
0x1b6: {  	v29 =	vmul.f32 v32, v29;
	v28 =	vmul.f32 v31, v28;
	v34 =	vshra.s32 v34, $0x17  }
0x1b7: {  	v8 =	vadd.s32 $0xC00, v8;
	vm3 =	vge.f32 v1, $0.0e+00;
	v16 =	vmul.f32 v16, v17  }
0x1b8: {  	v36 =	vpop (erf);
	vm4 =	vle.f32 v1, $1.000000000e+00;
	v18 =	vmul.f32 v18, v19;
	v20 =	vmul.f32 v20, v21  }
0x1b9: {  	v5 =	vmul.f32 v13, v5;
	v37 =	vmul.f32 v36, v36;
	v30 =	vadd.f32 $-3.520218850e+00, v35  }
0x1ba: {  	v34 =	vadd.s32 $0xFFFFFF81, v34;
	vm3 =	vmand vm3, vm4;
	v23 =	vmul.f32 v42, v23  }
0x1bb: {  	v43 =	vand.u32 $0x7FFFFF, v24;
	v34 =	vcvt.s32.f32 v34;
	v14 =	vmul.f32 v37, v14  }
0x1bc: {  	v44 =	vor.u32 $0x3F800000, v43;
	v30 =	vmul.f32 v22, v30;
	v45 =	vand.u32 $0x7FFFFF, v23  }
0x1bd: {  	v46 =	vmul.f32 $4.392862690e-02, v44;
	v33 =	vor.u32 $0x3F800000, v45;
	v37 =	vand.u32 $0x7FFFFF, v14  }
0x1be: {  	v30 =	vadd.f32 $5.069756510e+00, v30;
	v38 =	vmul.f32 $4.392862690e-02, v33;
	v37 =	vor.u32 $0x3F800000, v37  }
0x1bf: {  	v24 =	vshra.s32 v24, $0x17;
	v31 =	vadd.f32 $-4.094755950e-01, v46;
	v47 =	vmul.f32 $4.392862690e-02, v37  }
0x1c0: {  	v16 =	vadd.f32 v27, v16;
	v22 =	vmul.f32 v22, v30;
	v30 =	vadd.f32 $-4.094755950e-01, v38  }
0x1c1: {  	v18 =	vadd.f32 v29, v18;
	v31 =	vmul.f32 v44, v31;
	v35 =	vadd.f32 $-4.094755950e-01, v47  }
0x1c2: {  	v20 =	vadd.f32 v28, v20;
	v5 =	vmul.f32 v10, v5;
	v30 =	vmul.f32 v33, v30  }
0x1c3: {  	v24 =	vadd.s32 $0xFFFFFF81, v24;
	v31 =	vadd.f32 $1.610177520e+00, v31;
	v35 =	vmul.f32 v37, v35  }
0x1c4: {  	v24 =	vcvt.s32.f32 v24;
	v6 =	vmul.f32 v16, v6;
	v30 =	vadd.f32 $1.610177520e+00, v30  }
0x1c5: {  	v7 =	vmul.f32 v18, v7;
	v31 =	vmul.f32 v44, v31;
	v48 =	vadd.f32 $1.610177520e+00, v35  }
0x1c6: {  	v23 =	vshra.s32 v23, $0x17;
	v9 =	vmul.f32 v20, v9;
	v30 =	vmul.f32 v33, v30  }
0x1c7: {  	v23 =	vadd.s32 $0xFFFFFF81, v23;
	v17 =	vadd.f32 $-3.520218850e+00, v31;
	v31 =	vmul.f32 v37, v48  }
0x1c8: {  	v14 =	vshra.s32 v14, $0x17;
	v23 =	vcvt.s32.f32 v23;
	v19 =	vadd.f32 $-3.520218850e+00, v30  }
0x1c9: {  	v6 =	vmul.f32 v25, v6;
	v17 =	vmul.f32 v44, v17;
	v21 =	vadd.f32 $-3.520218850e+00, v31  }
0x1ca: {  	v8 =	vld.idx.msk [tilespmem:v8+s4+$0x0], $0xffff;
	v14 =	vadd.s32 $0xFFFFFF81, v14;
	v7 =	vmul.f32 v26, v7;
	v19 =	vmul.f32 v33, v19  }
0x1cb: {  	v9 =	vmul.f32 v36, v9;
	v17 =	vadd.f32 $5.069756510e+00, v17;
	v21 =	vmul.f32 v37, v21  }
0x1cc: {  	v14 =	vcvt.s32.f32 v14;
	v6 =	vadd.f32 v6, v11;
	v19 =	vadd.f32 $5.069756510e+00, v19  }
0x1cd: {  	v7 =	vadd.f32 v7, v12;
	v17 =	vmul.f32 v44, v17;
	v21 =	vadd.f32 $5.069756510e+00, v21  }
0x1ce: {  	v9 =	vadd.f32 v9, v15;
	v22 =	vadd.f32 $-2.794153690e+00, v22;
	v19 =	vmul.f32 v33, v19  }
0x1cf: {  	v5 =	vadd.f32 v5, v8;
	v17 =	vadd.f32 $-2.794153690e+00, v17;
	v21 =	vmul.f32 v37, v21  }
0x1d0: {  	v4 =	vsel vm0, v6, v4;
	v22 =	vadd.f32 v34, v22;
	v19 =	vadd.f32 $-2.794153690e+00, v19  }
0x1d1: {  	v3 =	vsel vm2, v7, v3;
	[tilespmem:s0+$0xF800] =	vst v4;
	v17 =	vadd.f32 v24, v17;
	v16 =	vadd.f32 $-2.794153690e+00, v21  }
0x1d2: {  	v2 =	vsel vm1, v9, v2;
	[tilespmem:s0+$0xF810] =	vst v3;
	v22 =	vmul.f32 $6.931471820e-01, v22;
	v18 =	vadd.f32 v23, v19  }
0x1d3: {  	[tilespmem:s0+$0xF820] =	vst v2;
	v1 =	vsel vm3, v5, v1;
	v13 =	vmul.f32 $6.931471820e-01, v17;
	v14 =	vadd.f32 v14, v16  }
0x1d4: {  	[tilespmem:s0+$0xF830] =	vst v1;
	v16 =	vnsel vm3, $0x0, v22;
	v17 =	vmul.f32 $6.931471820e-01, v18  }
0x1d5: {  	[tilespmem:s0+$0x13830] =	vst v16;
	v13 =	vnsel vm0, $0x0, v13;
	v14 =	vmul.f32 $6.931471820e-01, v14  }
0x1d6: {  	[tilespmem:s0+$0x13800] =	vst v13;
	v11 =	vnsel vm2, $0x0, v17  }
0x1d7: {  	v10 =	vnsel vm1, $0x0, v14;
	[tilespmem:s0+$0x13810] =	vst v11  }
0x1d8: {  	s2 =	simm.s32 $0xF800;
	[tilespmem:s0+$0x13820] =	vst v10  }
0x1d9: {  	[hbm4b:s10+s15] =	stream.strided.scatter [tilespmem:s2], [sflag:$0x4], $0x2000, s16, s15, $0x38;
	[tilespmem:$0x15800] =	vst v63  }
0x1da: {  	s17 =	simm.s32 $0x13800  }
0x1db: {  	[hbm4b:s11+s15] =	stream.strided.scatter [tilespmem:s17], [sflag:$0x6], $0x2000, s16, s15, $0x38;
	[tilespmem:$0x15800] =	vst v63  }
0x1dc: {  	_ =	swait.ge [sflag:s20], $0x2000  }
0x1dd: {  	[sflag:s20] =	ssyncset.done $0x0  }
0x1de: {  	[sflag:s20] =	ssyncadd.s32 $0xFFFFE000  }
0x1df: {  	s1 =	simm.s32 $0x0;
	_ =	swait.ge [sflag:s28], $0x2000  }
0x1e0: {  	s21 =	sand.u32 $0x1800, s1;
	[sflag:s28] =	ssyncset.done $0x0  }
0x1e1: {  	s2 =	sand.u32 $0x400, s1;
	s17 =	simm.s32 $0x0;
	[sflag:s28] =	ssyncadd.s32 $0xFFFFE000  }
0x1e2: {  	s0 =	sor.u32 s2, s21;
	s25 =	sand.u32 $0x380, s17;
	_ =	swait.ge [sflag:s29], $0x2000  }
0x1e3: {  	s26 =	sand.u32 $0x40, s1;
	s0 =	sor.u32 s25, s0;
	[sflag:s29] =	ssyncset.done $0x0  }
0x1e4: {  	s0 =	sor.u32 s26, s0;
	[sflag:s29] =	ssyncadd.s32 $0xFFFFE000  }
0x1e5: {  	v1 =	vld [tilespmem:s0+$0x9830];
	_ =	sdelay $0x2  }
0x1e6: {  	v4 =	vld [tilespmem:s0+$0x9800]  }
0x1e7: {  	v3 =	vld [tilespmem:s0+$0x9810]  }
0x1e8: {  	v5 =	vmul.f32 $1.024000000e+03, v1;
	_ =	sdelay $0x1  }
0x1e9: {  	v2 =	vld [tilespmem:s0+$0x9820];
	v5 =	vtrunc.f32 v5  }
0x1ea: {  	v6 =	vmul.f32 $1.024000000e+03, v4;
	v5 =	vcvt.f32.s32 v5  }
0x1eb: {  	v7 =	vmul.f32 $1.024000000e+03, v3  }
0x1ec: {  	v6 =	vtrunc.f32 v6;
	vm0 =	vgt.s32 v5, $0x0  }
0x1ed: {  	v7 =	vtrunc.f32 v7;
	v6 =	vcvt.f32.s32 v6;
	v5 =	vnsel vm0, $0x0, v5  }
0x1ee: {  	s21 =	simm.s32 $0x0;
	v8 =	vmul.f32 $1.024000000e+03, v2;
	v7 =	vcvt.f32.s32 v7;
	v5 =	vmin.u32 v5, $0x3FF  }
0x1ef: {  	vm0 =	vgt.s32 v6, $0x0;
	v5 =	vor.u32 s21, v5  }
0x1f0: {  	v8 =	vtrunc.f32 v8;
	v6 =	vnsel vm0, $0x0, v6;
	vm0 =	vgt.s32 v7, $0x0  }
0x1f1: {  	v8 =	vcvt.f32.s32 v8;
	v7 =	vnsel vm0, $0x0, v7  }
0x1f2: {  	v7 =	vmin.u32 v7, $0x3FF  }
0x1f3: {  	v6 =	vmin.u32 v6, $0x3FF;
	vm0 =	vgt.s32 v8, $0x0;
	v7 =	vor.u32 s21, v7  }
0x1f4: {  	v6 =	vor.u32 s21, v6;
	v8 =	vnsel vm0, $0x0, v8;
	v5 =	vld.idx.msk [tilespmem:v5+s19+$0x0], $0xffff  }
0x1f5: {  	v8 =	vmin.u32 v8, $0x3FF  }
0x1f6: {  	v8 =	vor.u32 s21, v8  }
0x1f7: {  	s25 =	simm.s32 $0x0  }
0x1f8: {  	s26 =	sor.u32 $0x1, s25;
	v7 =	vld.idx.msk [tilespmem:v7+s19+$0x0], $0xffff  }
0x1f9: {  	v6 =	vld.idx.msk [tilespmem:v6+s19+$0x0], $0xffff;
	v9 =	vadd.s32 s26, v5;
	_ =	sdelay $0x1  }
0x1fa: {  	v10 =	vld.idx.msk [tilespmem:v8+s19+$0x0], $0xffff;
	_ =	sdelay $0x1  }
0x1fb: {  	v11 =	vadd.s32 s26, v7  }
0x1fc: {  	v8 =	vadd.s32 s26, v6;
	v9 =	vld.idx.msk [tilespmem:v9+s4+$0x0], $0xffff;
	_ =	sdelay $0x1  }
0x1fd: {  	v12 =	vadd.s32 s26, v10;
	_ =	sdelay $0x1  }
0x1fe: {  	v11 =	vld.idx.msk [tilespmem:v11+s4+$0x0], $0xffff  }
0x1ff: {  	v8 =	vld.idx.msk [tilespmem:v8+s4+$0x0], $0xffff;
	vm0 =	vle.f32 v9, v1  }
0x200: {  	v9 =	vsel vm0, $0x1, v0  }
0x201: {  	v12 =	vld.idx.msk [tilespmem:v12+s4+$0x0], $0xffff;
	v5 =	vadd.s32 v9, v5  }
0x202: {  	vm1 =	vlt.s32 v5, $0x1D  }
0x203: {  	vm2 =	vle.f32 v11, v3;
	v5 =	vnsel vm1, $0x1D, v5  }
0x204: {  	v9 =	vsel vm2, $0x1, v0;
	vm1 =	vle.f32 v8, v4;
	v8 =	vadd.s32 s25, v5  }
0x205: {  	v7 =	vadd.s32 v9, v7;
	v5 =	vsel vm1, $0x1, v0;
	v11 =	vadd.s32 $0x400, v8  }
0x206: {  	vm1 =	vle.f32 v12, v2;
	v5 =	vadd.s32 v5, v6;
	v6 =	vadd.s32 $0x800, v8  }
0x207: {  	vm2 =	vlt.s32 v7, $0x1D;
	v12 =	vsel vm1, $0x1, v0;
	v9 =	vadd.s32 $0x1000, v8  }
0x208: {  	v13 =	vadd.s32 $0x1401, v8;
	v7 =	vnsel vm2, $0x1D, v7;
	v10 =	vadd.s32 v12, v10  }
0x209: {  	vm1 =	vlt.s32 v5, $0x1D;
	v12 =	vadd.s32 $0x1400, v8;
	v7 =	vadd.s32 s25, v7  }
0x20a: {  	v5 =	vnsel vm1, $0x1D, v5;
	vm1 =	vlt.s32 v10, $0x1D;
	v16 =	vadd.s32 $0x400, v7;
	v11 =	vld.idx.msk [tilespmem:v11+s4+$0x0], $0xffff  }
0x20b: {  	v25 =	vadd.s32 $0x1400, v7;
	v14 =	vadd.s32 s25, v5;
	v5 =	vnsel vm1, $0x1D, v10;
	v6 =	vld.idx.msk [tilespmem:v6+s4+$0x0], $0xffff  }
0x20c: {  	v26 =	vadd.s32 $0x1401, v7;
	v15 =	vadd.s32 s25, v5;
	v5 =	vld.idx.msk [tilespmem:v9+s4+$0x0], $0xffff  }
0x20d: {  	v10 =	vadd.s32 $0x400, v14;
	v13 =	vld.idx.msk [tilespmem:v13+s4+$0x0], $0xffff  }
0x20e: {  	v17 =	vadd.s32 $0x800, v14;
	v12 =	vld.idx.msk [tilespmem:v12+s4+$0x0], $0xffff  }
0x20f: {  	v9 =	vadd.s32 $0x400, v15;
	v16 =	vld.idx.msk [tilespmem:v16+s4+$0x0], $0xffff  }
0x210: {  	v28 =	vadd.s32 $0x1400, v15;
	v29 =	vld.idx.msk [tilespmem:v25+s4+$0x0], $0xffff  }
0x211: {  	v31 =	vadd.s32 $0x1401, v15;
	v26 =	vld.idx.msk [tilespmem:v26+s4+$0x0], $0xffff;
	v11 =	vsub.f32 v1, v11  }
0x212: {  	v18 =	vadd.s32 $0x1000, v14;
	v10 =	vld.idx.msk [tilespmem:v10+s4+$0x0], $0xffff  }
0x213: {  	v19 =	vadd.s32 $0x800, v7;
	v17 =	vld.idx.msk [tilespmem:v17+s4+$0x0], $0xffff;
	v49 =	vmul.f32 v5, v6;
	v11 =	vmul.f32 v6, v11  }
0x214: {  	v20 =	vadd.s32 $0x1000, v7;
	v50 =	vadd.s32 $0xC00, v7;
	v21 =	vadd.s32 $0x800, v15;
	v27 =	vld.idx.msk [tilespmem:v9+s4+$0x0], $0xffff  }
0x215: {  	v28 =	vld.idx.msk [tilespmem:v28+s4+$0x0], $0xffff;
	v7 =	vadd.f32 v13, v12;
	v52 =	vadd.f32 v49, v49;
	v51 =	vmul.f32 v11, v11  }
0x216: {  	vm3 =	vle.f32 v3, $1.000000000e+00;
	vm5 =	vge.f32 v2, $0.0e+00;
	v22 =	vadd.s32 $0x1000, v15;
	v40 =	vld.idx.msk [tilespmem:v31+s4+$0x0], $0xffff  }
0x217: {  	v23 =	vadd.s32 $0x1400, v14;
	v6 =	vld.idx.msk [tilespmem:v18+s4+$0x0], $0xffff;
	v9 =	vsub.f32 v7, v52;
	v53 =	vsub.f32 v11, v51  }
0x218: {  	vm0 =	vge.f32 v4, $0.0e+00;
	vm2 =	vge.f32 v3, $0.0e+00;
	v24 =	vadd.s32 $0x1401, v14;
	v18 =	vld.idx.msk [tilespmem:v19+s4+$0x0], $0xffff  }
0x219: {  	vm4 =	vmand vm2, vm3;
	v7 =	vld.idx.msk [tilespmem:v20+s4+$0x0], $0xffff;
	v10 =	vsub.f32 v4, v10;
	v19 =	vmul.f32 v9, v53  }
0x21a: {  	vm1 =	vle.f32 v4, $1.000000000e+00;
	v42 =	vadd.f32 v26, v29;
	v20 =	vld.idx.msk [tilespmem:v21+s4+$0x0], $0xffff;
	v21 =	vsub.f32 v3, v16  }
0x21b: {  	v57 =	vadd.f32 v40, v28;
	v10 =	vmul.f32 v17, v10;
	v9 =	vld.idx.msk [tilespmem:v22+s4+$0x0], $0xffff;
	v19 =	vadd.f32 v19, v49  }
0x21c: {  	v13 =	vmul.f32 v13, v51;
	v16 =	vmul.f32 v6, v17;
	v22 =	vsub.f32 v2, v27;
	v27 =	vld.idx.msk [tilespmem:v23+s4+$0x0], $0xffff  }
0x21d: {  	v11 =	vsub.f32 $1.000000000e+00, v11;
	v39 =	vmul.f32 v18, v21;
	v23 =	vld.idx.msk [tilespmem:v24+s4+$0x0], $0xffff;
	(erf) = vrcp.f32 v19  }
0x21e: {  	v17 =	vmul.f32 v10, v10;
	v24 =	vsub.f32 $1.000000000e+00, v10;
	v36 =	vmul.f32 v52, v53  }
0x21f: {  	v11 =	vmul.f32 v11, v11;
	v37 =	vmul.f32 v53, v12;
	v25 =	vadd.f32 v16, v16  }
0x220: {  	v18 =	vmul.f32 v7, v18;
	v56 =	vsub.f32 $1.000000000e+00, v39;
	v30 =	vsub.f32 v10, v17  }
0x221: {  	v22 =	vmul.f32 v20, v22;
	v13 =	vadd.f32 v36, v13;
	v11 =	vmul.f32 v11, v12  }
0x222: {  	v10 =	vadd.f32 v18, v18;
	v19 =	vmul.f32 v39, v39;
	v41 =	vadd.f32 v23, v27  }
0x223: {  	v21 =	vmul.f32 v22, v22;
	v11 =	vadd.f32 v13, v11;
	v20 =	vmul.f32 v9, v20  }
0x224: {  	v12 =	vmul.f32 v25, v30;
	v32 =	vsub.f32 v39, v19;
	v25 =	vsub.f32 v41, v25  }
0x225: {  	v33 =	vmul.f32 v49, v49;
	v58 =	vsub.f32 v42, v10;
	v55 =	vadd.f32 v20, v20  }
0x226: {  	v31 =	vsub.f32 v22, v21;
	v13 =	vmul.f32 v10, v32;
	v25 =	vmul.f32 v25, v30;
	v10 =	vpop (erf)  }
0x227: {  	v11 =	vmul.f32 v11, v33;
	v39 =	vsub.f32 v57, v55;
	v59 =	vmul.f32 v10, v10  }
0x228: {  	v14 =	vadd.s32 $0xC00, v14;
	v24 =	vmul.f32 v24, v24;
	v25 =	vadd.f32 v25, v16  }
0x229: {  	v43 =	vsub.f32 $1.000000000e+00, v22;
	v22 =	vmul.f32 v39, v31;
	v34 =	vmul.f32 v59, v11  }
0x22a: {  	vm0 =	vmand vm0, vm1;
	v41 =	vmul.f32 v58, v32;
	(erf) = vrcp.f32 v25  }
0x22b: {  	v25 =	vadd.f32 v22, v20;
	v11 =	vmul.f32 v23, v17;
	v22 =	vand.u32 $0x7FFFFF, v34  }
0x22c: {  	v26 =	vmul.f32 v26, v19;
	v23 =	vadd.f32 v41, v18;
	v22 =	vor.u32 $0x3F800000, v22  }
0x22d: {  	v60 =	vmul.f32 v55, v31;
	v11 =	vadd.f32 v12, v11;
	v12 =	vmul.f32 $4.392862690e-02, v22  }
0x22e: {  	v13 =	vadd.f32 v13, v26;
	v26 =	vmul.f32 v43, v43;
	(erf) = vrcp.f32 v23  }
0x22f: {  	(erf) = vrcp.f32 v25;
	v25 =	vmul.f32 v40, v21;
	v12 =	vadd.f32 $-4.094755950e-01, v12  }
0x230: {  	v15 =	vadd.s32 $0xC00, v15;
	v24 =	vmul.f32 v24, v27;
	v23 =	vmul.f32 v56, v56  }
0x231: {  	v26 =	vmul.f32 v26, v28;
	v25 =	vadd.f32 v60, v25;
	v12 =	vmul.f32 v22, v12  }
0x232: {  	vm1 =	vle.f32 v2, $1.000000000e+00;
	v23 =	vmul.f32 v23, v29;
	v24 =	vadd.f32 v11, v24  }
0x233: {  	v61 =	vmul.f32 v16, v16;
	v11 =	vld.idx.msk [tilespmem:v14+s4+$0x0], $0xffff;
	v14 =	vadd.f32 v25, v26;
	v26 =	vadd.f32 $1.610177520e+00, v12  }
0x234: {  	v54 =	vmul.f32 v49, v51;
	v62 =	vmul.f32 v18, v18;
	v23 =	vadd.f32 v13, v23  }
0x235: {  	vm5 =	vmand vm5, vm1;
	v63 =	vmul.f32 v20, v20;
	v24 =	vmul.f32 v24, v61;
	v25 =	vpop (erf)  }
0x236: {  	vm0 =	vmmov vm0;
	v15 =	vld.idx.msk [tilespmem:v15+s4+$0x0], $0xffff;
	v23 =	vmul.f32 v23, v62;
	v33 =	vmul.f32 v25, v25  }
0x237: {  	s2 =	simm.s32 $0x0;
	s21 =	simm.s32 $0x0;
	v13 =	vadd.f32 v37, v54;
	v14 =	vmul.f32 v14, v63;
	v12 =	vld.idx.msk [tilespmem:v50+s4+$0x0], $0xffff;
	v35 =	vmul.f32 v22, v26;
	v26 =	vpop (erf)  }
.LBB2_6:
0x238: {  	v36 =	vmul.f32 v33, v24  }
0x239: {  	s2 =	sadd.s32 $0x4, s2;
	v24 =	vmul.f32 v26, v26;
	s1 =	sadd.s32 $0x200, s1;
	s21 =	sadd.s32 $0x40, s21;
	v33 =	vpop (erf);
	vm3 =	vmmov vm4;
	vm1 =	vmmov vm5  }
0x23a: {  	v27 =	vmul.f32 v30, v27;
	s17 =	sand.u32 $0x1800, s21;
	s25 =	sand.u32 $0x400, s1;
	s26 =	sshll.u32 s2, $0x3;
	v30 =	vmul.f32 v33, v33;
	v35 =	vadd.f32 $-3.520218850e+00, v35  }
0x23b: {  	v29 =	vmul.f32 v32, v29;
	p0 =	slt.u32 s2, $0x1FC;
	s17 =	sor.u32 s25, s17;
	s25 =	sand.u32 $0x380, s26;
	v37 =	vand.u32 $0x7FFFFF, v36;
	v32 =	vmul.f32 v24, v23  }
0x23c: {  	s26 =	sand.u32 $0x40, s21;
	s17 =	sor.u32 s25, s17;
	v37 =	vor.u32 $0x3F800000, v37;
	v30 =	vmul.f32 v30, v14;
	v23 =	vmul.f32 v22, v35  }
0x23d: {  	v28 =	vmul.f32 v31, v28;
	s25 =	sor.u32 s26, s17;
	v24 =	vmul.f32 $4.392862690e-02, v37;
	v35 =	vand.u32 $0x7FFFFF, v32  }
0x23e: {  	v14 =	vld [tilespmem:s25+$0x9830];
	v31 =	vor.u32 $0x3F800000, v35;
	v35 =	vand.u32 $0x7FFFFF, v30;
	v38 =	vadd.f32 $5.069756510e+00, v23  }
0x23f: {  	v23 =	vld [tilespmem:s25+$0x9800];
	v39 =	vadd.f32 $-4.094755950e-01, v24;
	v40 =	vmul.f32 $4.392862690e-02, v31;
	v35 =	vor.u32 $0x3F800000, v35  }
0x240: {  	v34 =	vshra.s32 v34, $0x17;
	v24 =	vld [tilespmem:s25+$0x9810];
	v41 =	vmul.f32 $4.392862690e-02, v35;
	v38 =	vmul.f32 v22, v38  }
0x241: {  	v34 =	vadd.s32 $0xFFFFFF81, v34;
	v22 =	vld [tilespmem:s25+$0x9820];
	v39 =	vmul.f32 v37, v39;
	v40 =	vadd.f32 $-4.094755950e-01, v40  }
0x242: {  	v34 =	vcvt.s32.f32 v34;
	v41 =	vadd.f32 $-4.094755950e-01, v41;
	v38 =	vadd.f32 $-2.794153690e+00, v38  }
0x243: {  	v42 =	vmul.f32 $1.024000000e+03, v14;
	v39 =	vadd.f32 $1.610177520e+00, v39;
	v40 =	vmul.f32 v31, v40  }
0x244: {  	v8 =	vadd.s32 $0xC00, v8;
	v43 =	vmul.f32 $1.024000000e+03, v23;
	v34 =	vadd.f32 v34, v38  }
0x245: {  	vm2 =	vge.f32 v1, $0.0e+00;
	v38 =	vmul.f32 $1.024000000e+03, v24;
	v42 =	vtrunc.f32 v42  }
0x246: {  	vm4 =	vle.f32 v1, $1.000000000e+00;
	v42 =	vcvt.f32.s32 v42;
	v34 =	vmul.f32 $6.931471820e-01, v34  }
0x247: {  	vm2 =	vmand vm2, vm4;
	v43 =	vtrunc.f32 v43;
	v44 =	vmul.f32 $1.024000000e+03, v22  }
0x248: {  	v38 =	vtrunc.f32 v38;
	vm4 =	vgt.s32 v42, $0x0;
	v34 =	vnsel vm2, $0x0, v34  }
0x249: {  	s17 =	sshrl.u32 s2, $0x4;
	v43 =	vcvt.f32.s32 v43;
	v44 =	vtrunc.f32 v44;
	v42 =	vnsel vm4, $0x0, v42;
	v8 =	vld.idx.msk [tilespmem:v8+s4+$0x0], $0xffff;
	[tilespmem:s0+$0x11830] =	vst v34  }
0x24a: {  	s26 =	sshll.u32 s17, $0xA;
	v34 =	vcvt.f32.s32 v38;
	v38 =	vcvt.f32.s32 v44;
	v42 =	vmin.u32 v42, $0x3FF  }
0x24b: {  	v41 =	vmul.f32 v35, v41;
	vm4 =	vgt.s32 v43, $0x0;
	v42 =	vor.u32 s26, v42  }
0x24c: {  	v43 =	vnsel vm4, $0x0, v43;
	vm4 =	vgt.s32 v34, $0x0;
	vm5 =	vgt.s32 v38, $0x0  }
0x24d: {  	v43 =	vmin.u32 v43, $0x3FF;
	v34 =	vnsel vm4, $0x0, v34;
	v38 =	vnsel vm5, $0x0, v38  }
0x24e: {  	v43 =	vor.u32 s26, v43;
	v34 =	vmin.u32 v34, $0x3FF;
	v38 =	vmin.u32 v38, $0x3FF  }
0x24f: {  	v40 =	vadd.f32 $1.610177520e+00, v40;
	v34 =	vor.u32 s26, v34;
	v38 =	vor.u32 s26, v38  }
0x250: {  	v16 =	vmul.f32 v16, v17;
	v17 =	vmul.f32 v37, v39;
	v39 =	vadd.f32 $1.610177520e+00, v41;
	v42 =	vld.idx.msk [tilespmem:v42+s19+$0x0], $0xffff  }
0x251: {  	v18 =	vmul.f32 v18, v19;
	v36 =	vshra.s32 v36, $0x17;
	v19 =	vmul.f32 v31, v40  }
0x252: {  	v20 =	vmul.f32 v20, v21;
	v17 =	vadd.f32 $-3.520218850e+00, v17;
	v21 =	vmul.f32 v35, v39  }
0x253: {  	v32 =	vshra.s32 v32, $0x17;
	v30 =	vshra.s32 v30, $0x17;
	v19 =	vadd.f32 $-3.520218850e+00, v19;
	v39 =	vld.idx.msk [tilespmem:v43+s19+$0x0], $0xffff  }
0x254: {  	v16 =	vadd.f32 v27, v16;
	v17 =	vmul.f32 v37, v17;
	v21 =	vadd.f32 $-3.520218850e+00, v21;
	s26 =	sshll.u32 s17, $0x5;
	v34 =	vld.idx.msk [tilespmem:v34+s19+$0x0], $0xffff  }
0x255: {  	v18 =	vadd.f32 v29, v18;
	v20 =	vadd.f32 v28, v20;
	v19 =	vmul.f32 v31, v19;
	s17 =	sor.u32 $0x1, s26;
	v27 =	vld.idx.msk [tilespmem:v38+s19+$0x0], $0xffff  }
0x256: {  	v17 =	vadd.f32 $5.069756510e+00, v17;
	v21 =	vmul.f32 v35, v21;
	v28 =	vadd.s32 s17, v42  }
0x257: {  	v29 =	vadd.s32 $0xFFFFFF81, v36;
	v32 =	vadd.s32 $0xFFFFFF81, v32;
	v19 =	vadd.f32 $5.069756510e+00, v19  }
0x258: {  	v30 =	vadd.s32 $0xFFFFFF81, v30;
	v17 =	vmul.f32 v37, v17;
	v21 =	vadd.f32 $5.069756510e+00, v21  }
0x259: {  	v29 =	vcvt.s32.f32 v29;
	v19 =	vmul.f32 v31, v19;
	v36 =	vadd.s32 s17, v39  }
0x25a: {  	v17 =	vadd.f32 $-2.794153690e+00, v17;
	v21 =	vmul.f32 v35, v21;
	v31 =	vadd.s32 s17, v34  }
0x25b: {  	v32 =	vcvt.s32.f32 v32;
	v19 =	vadd.f32 $-2.794153690e+00, v19;
	v35 =	vadd.s32 s17, v27;
	v28 =	vld.idx.msk [tilespmem:v28+s4+$0x0], $0xffff  }
0x25c: {  	v6 =	vmul.f32 v16, v6;
	v16 =	vcvt.s32.f32 v30;
	v21 =	vadd.f32 $-2.794153690e+00, v21  }
0x25d: {  	v7 =	vmul.f32 v18, v7;
	v9 =	vmul.f32 v20, v9;
	v17 =	vadd.f32 v29, v17  }
0x25e: {  	v5 =	vmul.f32 v13, v5;
	v19 =	vadd.f32 v32, v19;
	v16 =	vadd.f32 v16, v21;
	v18 =	vld.idx.msk [tilespmem:v36+s4+$0x0], $0xffff  }
0x25f: {  	v6 =	vmul.f32 v25, v6;
	v7 =	vmul.f32 v26, v7;
	vm4 =	vge.f32 v23, $0.0e+00;
	v13 =	vld.idx.msk [tilespmem:v31+s4+$0x0], $0xffff  }
0x260: {  	v5 =	vmul.f32 v10, v5;
	v9 =	vmul.f32 v33, v9;
	vm5 =	vle.f32 v23, $1.000000000e+00;
	v20 =	vld.idx.msk [tilespmem:v35+s4+$0x0], $0xffff  }
0x261: {  	v10 =	vmul.f32 $6.931471820e-01, v17;
	v17 =	vmul.f32 $6.931471820e-01, v19;
	vm6 =	vle.f32 v28, v14  }
0x262: {  	v11 =	vadd.f32 v6, v11;
	v16 =	vmul.f32 $6.931471820e-01, v16;
	v19 =	vsel vm6, $0x1, v0  }
0x263: {  	v12 =	vadd.f32 v7, v12;
	v25 =	vadd.f32 v9, v15;
	v6 =	vadd.s32 v19, v42  }
0x264: {  	v26 =	vadd.f32 v5, v8;
	vm6 =	vle.f32 v18, v23;
	vm7 =	vlt.s32 v6, $0x1D  }
0x265: {  	v5 =	vsel vm6, $0x1, v0;
	vm6 =	vle.f32 v13, v24;
	v6 =	vnsel vm7, $0x1D, v6  }
0x266: {  	v7 =	vsel vm6, $0x1, v0;
	vm6 =	vle.f32 v20, v22;
	v8 =	vadd.s32 s26, v6  }
0x267: {  	v5 =	vadd.s32 v5, v39;
	v6 =	vsel vm6, $0x1, v0;
	v9 =	vadd.s32 $0x400, v8  }
0x268: {  	v7 =	vadd.s32 v7, v34;
	v13 =	vadd.s32 $0x800, v8;
	v6 =	vadd.s32 v6, v27  }
0x269: {  	vm6 =	vlt.s32 v5, $0x1D;
	v15 =	vadd.s32 $0x1000, v8;
	vm7 =	vlt.s32 v7, $0x1D  }
0x26a: {  	v18 =	vadd.s32 $0x1400, v8;
	v5 =	vnsel vm6, $0x1D, v5;
	vm6 =	vlt.s32 v6, $0x1D  }
0x26b: {  	v19 =	vadd.s32 $0x1401, v8;
	v7 =	vnsel vm7, $0x1D, v7;
	v6 =	vnsel vm6, $0x1D, v6  }
0x26c: {  	v20 =	vadd.s32 s26, v5;
	v7 =	vadd.s32 s26, v7;
	v6 =	vadd.s32 s26, v6;
	v9 =	vld.idx.msk [tilespmem:v9+s4+$0x0], $0xffff  }
0x26d: {  	v21 =	vadd.s32 $0x400, v20;
	v27 =	vadd.s32 $0x400, v7;
	v28 =	vadd.s32 $0x400, v6;
	v13 =	vld.idx.msk [tilespmem:v13+s4+$0x0], $0xffff  }
0x26e: {  	v29 =	vadd.s32 $0x800, v20;
	v30 =	vadd.s32 $0x1000, v20;
	v31 =	vadd.s32 $0x800, v7;
	v5 =	vld.idx.msk [tilespmem:v15+s4+$0x0], $0xffff  }
0x26f: {  	v32 =	vadd.s32 $0x800, v6;
	v33 =	vadd.s32 $0x1000, v6;
	v15 =	vadd.s32 $0x1000, v7;
	v34 =	vld.idx.msk [tilespmem:v18+s4+$0x0], $0xffff  }
0x270: {  	v35 =	vadd.s32 $0x1401, v20;
	v36 =	vadd.s32 $0x1400, v7;
	v18 =	vadd.s32 $0x1400, v20;
	v37 =	vld.idx.msk [tilespmem:v19+s4+$0x0], $0xffff  }
0x271: {  	v38 =	vadd.s32 $0x1400, v6;
	v39 =	vadd.s32 $0x1401, v6;
	v19 =	vadd.s32 $0x1401, v7  }
0x272: {  	v40 =	vadd.s32 $0xC00, v20;
	v41 =	vadd.s32 $0xC00, v7;
	v7 =	vsub.f32 v14, v9;
	v21 =	vld.idx.msk [tilespmem:v21+s4+$0x0], $0xffff  }
0x273: {  	vm8 =	vle.f32 v24, $1.000000000e+00;
	vm7 =	vge.f32 v24, $0.0e+00;
	v42 =	vadd.s32 $0xC00, v6;
	v9 =	vld.idx.msk [tilespmem:v27+s4+$0x0], $0xffff  }
0x274: {  	vm9 =	vge.f32 v22, $0.0e+00;
	v43 =	vmul.f32 v5, v13;
	v44 =	vmul.f32 v13, v7;
	v20 =	vld.idx.msk [tilespmem:v28+s4+$0x0], $0xffff  }
0x275: {  	vm6 =	vmand vm4, vm5;
	vm4 =	vmand vm7, vm8;
	vm5 =	vle.f32 v22, $1.000000000e+00;
	v13 =	vld.idx.msk [tilespmem:v29+s4+$0x0], $0xffff  }
0x276: {  	v45 =	vmul.f32 v44, v44;
	v27 =	vadd.f32 v37, v34;
	v46 =	vadd.f32 v43, v43;
	v6 =	vld.idx.msk [tilespmem:v30+s4+$0x0], $0xffff  }
0x277: {  	v10 =	vnsel vm0, $0x0, v10;
	vm5 =	vmand vm9, vm5;
	v30 =	vnsel vm3, $0x0, v17;
	v28 =	vld.idx.msk [tilespmem:v31+s4+$0x0], $0xffff  }
0x278: {  	v17 =	vmul.f32 v43, v45;
	v27 =	vsub.f32 v27, v46;
	v7 =	vld.idx.msk [tilespmem:v15+s4+$0x0], $0xffff;
	v15 =	vsub.f32 v44, v45  }
0x279: {  	v21 =	vsub.f32 v23, v21;
	v31 =	vsub.f32 v24, v9;
	v32 =	vld.idx.msk [tilespmem:v32+s4+$0x0], $0xffff;
	[tilespmem:s0+$0x11800] =	vst v10;
	v10 =	vnsel vm1, $0x0, v16  }
0x27a: {  	v20 =	vsub.f32 v22, v20;
	v9 =	vld.idx.msk [tilespmem:v33+s4+$0x0], $0xffff;
	v29 =	vmul.f32 v15, v34;
	v33 =	vmul.f32 v27, v15  }
0x27b: {  	v4 =	vsel vm0, v11, v4;
	v3 =	vsel vm3, v12, v3;
	v21 =	vmul.f32 v13, v21;
	v27 =	vld.idx.msk [tilespmem:v18+s4+$0x0], $0xffff  }
0x27c: {  	v16 =	vmul.f32 v6, v13;
	v35 =	vld.idx.msk [tilespmem:v35+s4+$0x0], $0xffff;
	v13 =	vadd.f32 v29, v17;
	v11 =	vadd.f32 v33, v43  }
0x27d: {  	v17 =	vmul.f32 v21, v21;
	v33 =	vsub.f32 $1.000000000e+00, v21;
	v29 =	vld.idx.msk [tilespmem:v36+s4+$0x0], $0xffff;
	v36 =	vmul.f32 v28, v31;
	[tilespmem:s0+$0x11810] =	vst v30  }
0x27e: {  	v47 =	vadd.f32 v16, v16;
	v18 =	vmul.f32 v7, v28;
	v48 =	vld.idx.msk [tilespmem:v19+s4+$0x0], $0xffff;
	(erf) = vrcp.f32 v11;
	[tilespmem:s0+$0x11820] =	vst v10  }
0x27f: {  	v30 =	vsub.f32 v21, v17;
	v10 =	vmul.f32 v32, v20;
	v19 =	vmul.f32 v36, v36;
	v28 =	vld.idx.msk [tilespmem:v38+s4+$0x0], $0xffff  }
0x280: {  	v31 =	vsub.f32 $1.000000000e+00, v44;
	v38 =	vadd.f32 v18, v18;
	v20 =	vmul.f32 v9, v32;
	v39 =	vld.idx.msk [tilespmem:v39+s4+$0x0], $0xffff;
	[tilespmem:s0+$0xD800] =	vst v4  }
0x281: {  	v21 =	vmul.f32 v10, v10;
	v4 =	vmul.f32 v37, v45;
	v11 =	vld.idx.msk [tilespmem:v40+s4+$0x0], $0xffff;
	v32 =	vsub.f32 v36, v19  }
0x282: {  	v37 =	vadd.f32 v20, v20;
	v40 =	vmul.f32 v46, v15;
	v12 =	vld.idx.msk [tilespmem:v41+s4+$0x0], $0xffff;
	v41 =	vmul.f32 v31, v31  }
0x283: {  	v45 =	vmul.f32 v47, v30;
	v44 =	vadd.f32 v35, v27;
	v31 =	vsub.f32 v10, v21;
	v15 =	vld.idx.msk [tilespmem:v42+s4+$0x0], $0xffff  }
0x284: {  	v42 =	vadd.f32 v48, v29;
	v40 =	vadd.f32 v40, v4;
	v34 =	vmul.f32 v41, v34;
	[tilespmem:s0+$0xD810] =	vst v3  }
0x285: {  	v36 =	vsub.f32 $1.000000000e+00, v36;
	v41 =	vsub.f32 v44, v47;
	v44 =	vmul.f32 v38, v32;
	v4 =	vmovc v23;
	v3 =	vmovc v24  }
0x286: {  	v24 =	vmul.f32 v43, v43;
	v23 =	vadd.f32 v39, v28;
	v34 =	vadd.f32 v40, v34  }
0x287: {  	v38 =	vsub.f32 v42, v38;
	v40 =	vmul.f32 v41, v30;
	v41 =	vsub.f32 $1.000000000e+00, v10;
	v10 =	vpop (erf)  }
0x288: {  	v23 =	vsub.f32 v23, v37;
	v24 =	vmul.f32 v34, v24;
	v34 =	vmul.f32 v10, v10  }
0x289: {  	v38 =	vmul.f32 v38, v32;
	v37 =	vmul.f32 v37, v31;
	v40 =	vadd.f32 v40, v16  }
0x28a: {  	v23 =	vmul.f32 v23, v31;
	v34 =	vmul.f32 v34, v24;
	v24 =	vsel vm1, v25, v2;
	v2 =	vmovc v22  }
0x28b: {  	v25 =	vmul.f32 v35, v17;
	v35 =	vadd.f32 v38, v18;
	(erf) = vrcp.f32 v40;
	[tilespmem:s0+$0xD820] =	vst v24  }
0x28c: {  	v24 =	vmul.f32 v33, v33;
	v23 =	vadd.f32 v23, v20;
	v22 =	vand.u32 $0x7FFFFF, v34  }
0x28d: {  	v33 =	vmul.f32 v48, v19;
	v22 =	vor.u32 $0x3F800000, v22;
	(erf) = vrcp.f32 v35  }
0x28e: {  	v25 =	vadd.f32 v45, v25;
	v35 =	vmul.f32 $4.392862690e-02, v22;
	(erf) = vrcp.f32 v23  }
0x28f: {  	v23 =	vadd.f32 v44, v33;
	v33 =	vmul.f32 v36, v36;
	v36 =	vmul.f32 v39, v21  }
0x290: {  	v38 =	vmul.f32 v41, v41;
	v24 =	vmul.f32 v24, v27;
	v35 =	vadd.f32 $-4.094755950e-01, v35  }
0x291: {  	v39 =	vmul.f32 v16, v16;
	v33 =	vmul.f32 v33, v29;
	v36 =	vadd.f32 v37, v36  }
.Ltmp2:
0x292: {  	v40 =	vmul.f32 v38, v28;
	v24 =	vadd.f32 v25, v24;
	v35 =	vmul.f32 v22, v35;
	(pc) =	sbr.rel @p0 .LBB2_6-.Ltmp2, $4  }
0x293: {  	v38 =	vmul.f32 v20, v20;
	v37 =	vmul.f32 v18, v18;
	v23 =	vadd.f32 v23, v33  }
0x294: {  	v24 =	vmul.f32 v24, v39;
	v36 =	vadd.f32 v36, v40;
	v35 =	vadd.f32 $1.610177520e+00, v35;
	v25 =	vpop (erf)  }
0x295: {  	v23 =	vmul.f32 v23, v37;
	v37 =	vsel vm2, v26, v1;
	v1 =	vmovc v14;
	v33 =	vmul.f32 v25, v25  }
0x296: {  	vm0 =	vmmov vm6;
	v14 =	vmul.f32 v36, v38;
	v35 =	vmul.f32 v22, v35;
	v26 =	vpop (erf);
	[tilespmem:s0+$0xD830] =	vst v37;
	s0 =	smov.u32 s25  }
0x297: {  	v24 =	vmul.f32 v33, v24;
	v42 =	vmul.f32 v26, v26  }
0x298: {  	vm2 =	vmmov vm4;
	vm1 =	vmmov vm5;
	v27 =	vmul.f32 v30, v27  }
0x299: {  	v29 =	vmul.f32 v32, v29;
	v28 =	vmul.f32 v31, v28;
	v34 =	vshra.s32 v34, $0x17  }
0x29a: {  	v8 =	vadd.s32 $0xC00, v8;
	vm3 =	vge.f32 v1, $0.0e+00;
	v16 =	vmul.f32 v16, v17  }
0x29b: {  	v36 =	vpop (erf);
	vm15 =	vle.f32 v1, $1.000000000e+00;
	v18 =	vmul.f32 v18, v19;
	v20 =	vmul.f32 v20, v21  }
0x29c: {  	v5 =	vmul.f32 v13, v5;
	v37 =	vmul.f32 v36, v36;
	v43 =	vadd.f32 $-3.520218850e+00, v35  }
0x29d: {  	v34 =	vadd.s32 $0xFFFFFF81, v34;
	vm3 =	vmand vm3, vm15;
	v23 =	vmul.f32 v42, v23  }
0x29e: {  	v44 =	vand.u32 $0x7FFFFF, v24;
	v34 =	vcvt.s32.f32 v34;
	v14 =	vmul.f32 v37, v14  }
0x29f: {  	v16 =	vadd.f32 v27, v16;
	v45 =	vor.u32 $0x3F800000, v44;
	v46 =	vand.u32 $0x7FFFFF, v23  }
0x2a0: {  	v47 =	vmul.f32 $4.392862690e-02, v45;
	v33 =	vor.u32 $0x3F800000, v46;
	v37 =	vand.u32 $0x7FFFFF, v14  }
0x2a1: {  	v30 =	vmul.f32 v22, v43;
	v38 =	vmul.f32 $4.392862690e-02, v33;
	v37 =	vor.u32 $0x3F800000, v37  }
0x2a2: {  	v18 =	vadd.f32 v29, v18;
	v48 =	vadd.f32 $-4.094755950e-01, v47;
	v49 =	vmul.f32 $4.392862690e-02, v37  }
0x2a3: {  	v24 =	vshra.s32 v24, $0x17;
	v30 =	vadd.f32 $5.069756510e+00, v30;
	v51 =	vadd.f32 $-4.094755950e-01, v38  }
0x2a4: {  	v5 =	vmul.f32 v10, v5;
	v31 =	vmul.f32 v45, v48;
	v35 =	vadd.f32 $-4.094755950e-01, v49  }
0x2a5: {  	v20 =	vadd.f32 v28, v20;
	v50 =	vmul.f32 v22, v30;
	v30 =	vmul.f32 v33, v51  }
0x2a6: {  	v24 =	vadd.s32 $0xFFFFFF81, v24;
	v31 =	vadd.f32 $1.610177520e+00, v31;
	v35 =	vmul.f32 v37, v35  }
0x2a7: {  	v24 =	vcvt.s32.f32 v24;
	v6 =	vmul.f32 v16, v6;
	v30 =	vadd.f32 $1.610177520e+00, v30  }
0x2a8: {  	v7 =	vmul.f32 v18, v7;
	v31 =	vmul.f32 v45, v31;
	v52 =	vadd.f32 $1.610177520e+00, v35  }
0x2a9: {  	v23 =	vshra.s32 v23, $0x17;
	v9 =	vmul.f32 v20, v9;
	v30 =	vmul.f32 v33, v30  }
0x2aa: {  	v23 =	vadd.s32 $0xFFFFFF81, v23;
	v53 =	vadd.f32 $-3.520218850e+00, v31;
	v54 =	vmul.f32 v37, v52  }
0x2ab: {  	v14 =	vshra.s32 v14, $0x17;
	v23 =	vcvt.s32.f32 v23;
	v55 =	vadd.f32 $-3.520218850e+00, v30  }
0x2ac: {  	v6 =	vmul.f32 v25, v6;
	v17 =	vmul.f32 v45, v53;
	v56 =	vadd.f32 $-3.520218850e+00, v54  }
0x2ad: {  	v8 =	vld.idx.msk [tilespmem:v8+s4+$0x0], $0xffff;
	v14 =	vadd.s32 $0xFFFFFF81, v14;
	v7 =	vmul.f32 v26, v7;
	v19 =	vmul.f32 v33, v55  }
0x2ae: {  	v9 =	vmul.f32 v36, v9;
	v17 =	vadd.f32 $5.069756510e+00, v17;
	v21 =	vmul.f32 v37, v56  }
0x2af: {  	v14 =	vcvt.s32.f32 v14;
	v6 =	vadd.f32 v6, v11;
	v19 =	vadd.f32 $5.069756510e+00, v19  }
0x2b0: {  	v7 =	vadd.f32 v7, v12;
	v17 =	vmul.f32 v45, v17;
	v21 =	vadd.f32 $5.069756510e+00, v21  }
0x2b1: {  	v9 =	vadd.f32 v9, v15;
	v22 =	vadd.f32 $-2.794153690e+00, v50;
	v19 =	vmul.f32 v33, v19  }
0x2b2: {  	v5 =	vadd.f32 v5, v8;
	v17 =	vadd.f32 $-2.794153690e+00, v17;
	v21 =	vmul.f32 v37, v21  }
0x2b3: {  	v4 =	vsel vm0, v6, v4;
	v22 =	vadd.f32 v34, v22;
	v19 =	vadd.f32 $-2.794153690e+00, v19  }
0x2b4: {  	v3 =	vsel vm2, v7, v3;
	[tilespmem:s0+$0xD800] =	vst v4;
	v17 =	vadd.f32 v24, v17;
	v57 =	vadd.f32 $-2.794153690e+00, v21  }
0x2b5: {  	v2 =	vsel vm1, v9, v2;
	[tilespmem:s0+$0xD810] =	vst v3;
	v22 =	vmul.f32 $6.931471820e-01, v22;
	v58 =	vadd.f32 v23, v19  }
0x2b6: {  	[tilespmem:s0+$0xD820] =	vst v2;
	v1 =	vsel vm3, v5, v1;
	v59 =	vmul.f32 $6.931471820e-01, v17;
	v14 =	vadd.f32 v14, v57  }
0x2b7: {  	[tilespmem:s0+$0xD830] =	vst v1;
	v60 =	vnsel vm3, $0x0, v22;
	v61 =	vmul.f32 $6.931471820e-01, v58  }
0x2b8: {  	[tilespmem:s0+$0x11830] =	vst v60;
	v13 =	vnsel vm0, $0x0, v59;
	v14 =	vmul.f32 $6.931471820e-01, v14  }
0x2b9: {  	[tilespmem:s0+$0x11800] =	vst v13;
	v62 =	vnsel vm2, $0x0, v61  }
0x2ba: {  	v63 =	vnsel vm1, $0x0, v14;
	[tilespmem:s0+$0x11810] =	vst v62  }
0x2bb: {  	[tilespmem:s0+$0x11820] =	vst v63  }
0x2bc: {  	[hbm4b:s12+s15] =	stream.strided.scatter [tilespmem:s22], [sflag:$0x3], $0x2000, s16, s15, $0x38;
	[tilespmem:$0x15800] =	vst v63  }
0x2bd: {  	_ = 	snop  }
0x2be: {  	[hbm4b:s13+s15] =	stream.strided.scatter [tilespmem:s23], [sflag:$0x5], $0x2000, s16, s15, $0x38;
	[tilespmem:$0x15800] =	vst v63  }
0x2bf: {  	_ =	swait.ge [sflag:s30], $0x2000  }
0x2c0: {  	[sflag:s30] =	ssyncset.done $0x0  }
0x2c1: {  	[sflag:s30] =	ssyncadd.s32 $0xFFFFE000  }
0x2c2: {  	_ =	swait.ge [sflag:s31], $0x2000  }
0x2c3: {  	[sflag:s31] =	ssyncset.done $0x0  }
0x2c4: {  	s3 =	sadd.s32 $0x1, s3;
	[sflag:s31] =	ssyncadd.s32 $0xFFFFE000  }
0x2c5: {  	p0 =	sne.s32 s3, s14;
	_ =	swait.ge [sflag:s28], $0x2000  }
.Ltmp3:
0x2c6: {  	[sflag:s28] =	ssyncset.done $0x0;
	(pc) =	sbr.rel @p0 .LBB2_1-.Ltmp3, $4  }
0x2c7: {  	[sflag:s28] =	ssyncadd.s32 $0xFFFFE000  }
0x2c8: {  	_ =	swait.ge [sflag:s29], $0x2000  }
0x2c9: {  	[sflag:s29] =	ssyncset.done $0x0  }
0x2ca: {  	[sflag:s29] =	ssyncadd.s32 $0xFFFFE000  }
0x2cb: {  	_ =	sfence.sel $0x180000  }
0x2cc: {  	[bflag:$0x0] =	sbarrier.arrive $0xFFFF  }
0x2cd: {  	_ =	strace $0x90000047  }
0x2ce: {  	s0 =	stileid.u32;
	[bflag:$0x2] =	sbarrier.arrive $0xFFFF  }
0x2cf: {  	p0 =	sne.s32 s0, $0x0;
	s0 =	rddreg [dreg:$0x5]  }
0x2d0: {  	s0 =	sadd.s32 @!p0 $0x100000, s0  }
0x2d1: {  	[sflag:s0] =	ssyncadd.tile.s32 @!p0 $0x1;
	_ =	shalt  }
.Lfunc_end2:
_tile_overlayer_lowered:
.L_overlay_start_2:
0x2d2: {  	(tag) =	ssettag $0x2  }
0x2d3: {  	s0 =	rddreg [dreg:$0x0];
	s2 =	stileid.u32  }
0x2d4: {  	s1 =	rddreg [dreg:$0x1];
	p0 =	sne.s32 s2, $0x0  }
0x2d5: {  	s3 =	rddreg [dreg:$0x2];
	[bflag:$0x3] =	sbarrier.arrive $0xFFFF;
	s2 =	simm.s32 @!p0 $0x1C07  }
0x2d6: {  	[timem:s3], [sflag:s2] =	dma.local @!p0 [hbm:s0], s1  }
0x2d7: {  	s0 =	simm.s32 @!p0 $0x7  }
0x2d8: {  	_ =	swait.ge @!p0 [sflag:s0], s1  }
0x2d9: {  	s1 =	ssub.s32 @!p0 $0x0, s1;
	[sflag:s0] =	ssyncset.done @!p0 $0x0  }
0x2da: {  	[sflag:s0] =	ssyncadd.s32 @!p0 s1  }
0x2db: {  	[bflag:$0x3] =	sbarrier.arrive $0xFFFF  }
0x2dc: {  	_ =	shalt  }

</sc_bundles>
